<compile_context>
chip_gen: v7x
topology: tpu7x:2x2x1
jax: 0.10.2.dev20260603
libtpu: 0.0.44.dev20260713+nightly
codegen_flags: <defaults>
</compile_context>

<pallas_src>
import functools

import jax
import jax.numpy as jnp
from jax import lax
from jax.experimental import pallas as pl
from jax.experimental.pallas import tpu as pltpu
from jax.experimental.pallas import tpu_sc as plsc

B = 16384
H = 128
HW = H // 2
NC, NS = 2, 16
NW = NC * NS
NCHUNK = 2
CB = B // NCHUNK
BPW = CB // NW
NCH = BPW // H
BB = 2048


def _sc_gather(idx3_p, idx3_n, tbl_p, tbl_n):

    mesh = plsc.VectorSubcoreMesh(core_axis_name="c", subcore_axis_name="s")

    @functools.partial(
        pl.kernel,
        out_type=(
            jax.ShapeDtypeStruct((CB, HW), jnp.int32),
            jax.ShapeDtypeStruct((CB, HW), jnp.int32),
        ),
        mesh=mesh,
        compiler_params=pltpu.CompilerParams(use_tc_tiling_on_sc=False),
        scratch_types=[
            pltpu.VMEM((NCH, H), jnp.int32),
            pltpu.VMEM((NCH, H), jnp.int32),
            pltpu.VMEM((BPW, HW), jnp.int32),
            pltpu.VMEM((BPW, HW), jnp.int32),
            pltpu.SemaphoreType.DMA,
            pltpu.SemaphoreType.DMA,
        ],
    )
    def k(ip_hbm, in_hbm, tp_hbm, tn_hbm, outp_hbm, outn_hbm,
          idxp_v, idxn_v, rows_p, rows_n, sem_g, sem_w):
        wid = lax.axis_index("s") * NC + lax.axis_index("c")
        base = wid * BPW
        pltpu.sync_copy(ip_hbm.at[wid], idxp_v)
        pltpu.sync_copy(in_hbm.at[wid], idxn_v)
        gp = [pltpu.make_async_copy(tp_hbm.at[idxp_v.at[j]],
                                    rows_p.at[pl.ds(j * H, H)], sem_g)
              for j in range(NCH)]
        gn = [pltpu.make_async_copy(tn_hbm.at[idxn_v.at[j]],
                                    rows_n.at[pl.ds(j * H, H)], sem_g)
              for j in range(NCH)]
        for c in gp + gn:
            c.start()
        for c in gp:
            c.wait()
        wp = pltpu.make_async_copy(rows_p, outp_hbm.at[pl.ds(base, BPW)],
                                   sem_w)
        wp.start()
        for c in gn:
            c.wait()
        wn = pltpu.make_async_copy(rows_n, outn_hbm.at[pl.ds(base, BPW)],
                                   sem_w)
        wn.start()
        wp.wait()
        wn.wait()

    return k(idx3_p, idx3_n, tbl_p, tbl_n)


def _unpack(raw):
    lo = lax.bitcast_convert_type(lax.shift_left(raw, 16), jnp.float32)
    hi = lax.bitcast_convert_type(
        lax.bitwise_and(raw, jnp.int32(-65536)), jnp.float32)
    return lo, hi


def _feats(lo, hi, s):
    c = slice(s * HW, s * HW + HW)
    return jnp.concatenate([lo[:, c], hi[:, c]], axis=1)


def _norm_scale(f):
    return lax.rsqrt(jnp.maximum(
        jnp.sum(f * f, axis=1, keepdims=True), 1e-24))


def _tc_mlp(gp, gn, w1p, w1n, b1, w2, b2, w3r, b3):
    R = BB // 2
    grid = (CB // BB,)

    def body(gp_ref, gn_ref, w1p_ref, w1n_ref, b1_ref, w2_ref, b2_ref,
             w3_ref, b3_ref, out_ref):
        plo, phi = _unpack(gp_ref[...])
        nlo, nhi = _unpack(gn_ref[...])
        outs = []
        for s in (0, 1):
            p = _feats(plo, phi, s)
            n = _feats(nlo, nhi, s)
            h = _norm_scale(p) * jnp.dot(
                p, w1p_ref[...], preferred_element_type=jnp.float32)
            h = h + _norm_scale(n) * jnp.dot(
                n, w1n_ref[...], preferred_element_type=jnp.float32)
            h = jnp.maximum(h + b1_ref[...], 0.0)
            h = jnp.dot(h, w2_ref[...], preferred_element_type=jnp.float32)
            h = jnp.maximum(h + b2_ref[...], 0.0)
            outs.append(lax.dot_general(
                w3_ref[...], h, (((1,), (1,)), ((), ())),
                preferred_element_type=jnp.float32))
        oa, ob = outs
        segs = []
        for w in range(R // H):
            segs.append(oa[:, w * H:(w + 1) * H])
            segs.append(ob[:, w * H:(w + 1) * H])
        out_ref[...] = jnp.concatenate(segs, axis=1) + b3_ref[...]

    const = lambda i: (0, 0)
    return pl.pallas_call(
        body,
        grid=grid,
        in_specs=[
            pl.BlockSpec((R, H), lambda i: (i, 0)),
            pl.BlockSpec((R, H), lambda i: (i, 0)),
            pl.BlockSpec((H, H), const),
            pl.BlockSpec((H, H), const),
            pl.BlockSpec((1, H), const),
            pl.BlockSpec((H, H), const),
            pl.BlockSpec((1, H), const),
            pl.BlockSpec((1, H), const),
            pl.BlockSpec((1, 1), const),
        ],
        out_specs=pl.BlockSpec((1, BB), lambda i: (0, i)),
        out_shape=jax.ShapeDtypeStruct((1, CB), jnp.float32),
    )(gp, gn, w1p, w1n, b1, w2, b2, w3r, b3)


def _pack_table(t):
    t16 = t.astype(jnp.bfloat16)
    lo = lax.bitcast_convert_type(t16[:, :HW], jnp.uint16).astype(jnp.uint32)
    hi = lax.bitcast_convert_type(t16[:, HW:], jnp.uint16).astype(jnp.uint32)
    return lax.bitcast_convert_type((hi << 16) | lo, jnp.int32)


def _perm_idx(col):
    i3 = col.reshape(NW, 2, BPW // 2)
    return jnp.swapaxes(i3, 1, 2).reshape(NW, NCH, H)


def kernel(x, emb_proton, emb_neutron, W1, b1, W2, b2, W3, b3):
    x = x.astype(jnp.int32)
    tbl_p = _pack_table(emb_proton)
    tbl_n = _pack_table(emb_neutron)
    w1p, w1n = W1[:H], W1[H:]
    b1r, b2r = b1.reshape(1, H), b2.reshape(1, H)
    w3r, b3r = W3.reshape(1, H), b3.reshape(1, 1)
    outs = []
    for c in range(NCHUNK):
        xc = x[c * CB:(c + 1) * CB]
        gp, gn = _sc_gather(_perm_idx(xc[:, 0]), _perm_idx(xc[:, 1]),
                            tbl_p, tbl_n)
        outs.append(_tc_mlp(gp.reshape(CB // 2, H), gn.reshape(CB // 2, H),
                            w1p, w1n, b1r, W2, b2r, w3r, b3r))
    return jnp.concatenate(outs, axis=1).reshape(B, 1)

# --- scband reference (transcript-rebuilt; emitter-appended) ---
"""Pipeline reference for scband-model2-36653250904942 (READ-ONLY COPY).

The authoritative reference and input builder live on the scoring server;
editing this copy changes nothing except your own understanding.
"""

import jax, jax.numpy as jnp
import numpy as np

B, H, NP, NN = 16384, 128, 1000, 1000

def _l2norm(v):
    # torch F.normalize(p=2, dim=1) with eps=1e-12
    n = jnp.linalg.norm(v, ord=2, axis=1, keepdims=True)
    return v / jnp.clip(n, 1e-12)

def setup_inputs(seed: int = 0) -> dict:
    key = jax.random.key(seed)
    ks = jax.random.split(key, 10)
    x = jax.random.randint(ks[0], (B, 2), 0, min(NP, NN), dtype=jnp.int64)
    emb_proton = jax.random.uniform(ks[1], (NP, H), minval=-1.0, maxval=1.0, dtype=jnp.float32)
    emb_proton = _l2norm(emb_proton)
    emb_neutron = jax.random.uniform(ks[2], (NN, H), minval=-1.0, maxval=1.0, dtype=jnp.float32)
    emb_neutron = _l2norm(emb_neutron)
    s1 = 1.0 / np.sqrt(2 * H)
    s2 = 1.0 / np.sqrt(H)
    W1 = jax.random.uniform(ks[3], (2 * H, H), minval=-s1, maxval=s1, dtype=jnp.float32)
    b1 = jax.random.uniform(ks[4], (H,), minval=-s1, maxval=s1, dtype=jnp.float32)
    W2 = jax.random.uniform(ks[5], (H, H), minval=-s2, maxval=s2, dtype=jnp.float32)
    b2 = jax.random.uniform(ks[6], (H,), minval=-s2, maxval=s2, dtype=jnp.float32)
    W3 = jax.random.uniform(ks[7], (H, 1), minval=-s2, maxval=s2, dtype=jnp.float32)
    b3 = jax.random.uniform(ks[8], (1,), minval=-s2, maxval=s2, dtype=jnp.float32)
    return {"x": x, "emb_proton": emb_proton, "emb_neutron": emb_neutron,
            "W1": W1, "b1": b1, "W2": W2, "b2": b2, "W3": W3, "b3": b3}

def reference(x, emb_proton, emb_neutron, W1, b1, W2, b2, W3, b3):
    proton = jnp.take(emb_proton, x[:, 0], axis=0)
    neutron = jnp.take(emb_neutron, x[:, 1], axis=0)
    proton = _l2norm(proton)
    neutron = _l2norm(neutron)
    h = jnp.concatenate([proton, neutron], axis=1)
    h = jax.nn.relu(h @ W1 + b1)
    # Dropout(p=0.001) is identity in eval mode
    h = jax.nn.relu(h @ W2 + b2)
    out = h @ W3 + b3
    return out

if __name__ == "__main__":
    import jax
    _d = setup_inputs()
    print(jax.jit(kernel)(*tuple(_d.values())))

</pallas_src>

<mosaic_0001>
#map = affine_map<(d0, d1) -> (0, 0, 0)>
#map1 = affine_map<(d0, d1) -> (0, 0)>
module attributes {stable_mosaic.version = 14 : i64} {
  func.func @k(%arg0: i32, %arg1: i32, %arg2: memref<32x2x128xi32, #tpu.memory_space<hbm>>, %arg3: memref<32x2x128xi32, #tpu.memory_space<hbm>>, %arg4: memref<1000x64xi32, #tpu.memory_space<hbm>>, %arg5: memref<1000x64xi32, #tpu.memory_space<hbm>>, %arg6: memref<8192x64xi32, #tpu.memory_space<hbm>>, %arg7: memref<8192x64xi32, #tpu.memory_space<hbm>>, %arg8: memref<2x128xi32, #tpu.memory_space<vmem>>, %arg9: memref<2x128xi32, #tpu.memory_space<vmem>>, %arg10: memref<256x64xi32, #tpu.memory_space<vmem>>, %arg11: memref<256x64xi32, #tpu.memory_space<vmem>>, %arg12: memref<!tpu.dma_semaphore, #tpu.memory_space<semaphore_mem>>, %arg13: memref<!tpu.dma_semaphore, #tpu.memory_space<semaphore_mem>>) attributes {dimension_semantics = [#tpu.dimension_semantics<core_parallel>, #tpu.dimension_semantics<subcore_parallel>], iteration_bounds = array<i64: 2, 16>, scalar_prefetch = 0 : i64, scratch_operands = 6 : i64, tpu.core_type = #tpu.core_type<sc_vector_subcore>, window_params = [{transform_indices = #map}, {transform_indices = #map}, {transform_indices = #map1}, {transform_indices = #map1}, {transform_indices = #map1}, {transform_indices = #map1}]} {
    %mul3A = arith.constant 2 : i32
    %mul3A_0 = arith.muli %arg1, %mul3A : i32
    %add3A = arith.addi %mul3A_0, %arg0 : i32
    %mul3A_1 = arith.constant 256 : i32
    %mul3A_2 = arith.muli %add3A, %mul3A_1 : i32
    "tpu.region"() ({
      %run_scoped3A = tpu.sem_alloc : memref<!tpu.dma_semaphore, #tpu.memory_space<semaphore_mem>>
      %dma_start3A_97 = arith.constant 0 : i32
      %dma_start3A_98 = arith.constant 0 : i32
      %dma_start3A_99 = tpu.memref_slice %arg2[%add3A, %dma_start3A_97, %dma_start3A_98] : memref<32x2x128xi32, #tpu.memory_space<hbm>> -> memref<1x2x128xi32, #tpu.memory_space<hbm>>
      %dma_start3A_100 = tpu.memref_squeeze %dma_start3A_99 : memref<1x2x128xi32, #tpu.memory_space<hbm>> -> memref<2x128xi32, #tpu.memory_space<hbm>>
      %dma_start3A_101 = arith.constant 0 : i32
      %dma_start3A_102 = arith.constant 0 : i32
      %dma_start3A_103 = tpu.memref_slice %arg2[%add3A, %dma_start3A_101, %dma_start3A_102] : memref<32x2x128xi32, #tpu.memory_space<hbm>> -> memref<1x2x128xi32, #tpu.memory_space<hbm>>
      %dma_start3A_104 = tpu.memref_squeeze %dma_start3A_103 : memref<1x2x128xi32, #tpu.memory_space<hbm>> -> memref<2x128xi32, #tpu.memory_space<hbm>>
      tpu.enqueue_dma source(%dma_start3A_104 : memref<2x128xi32, #tpu.memory_space<hbm>>) target(%arg8 : memref<2x128xi32, #tpu.memory_space<vmem>>) target_semaphore(%run_scoped3A : memref<!tpu.dma_semaphore, #tpu.memory_space<semaphore_mem>>)
      %dma_wait3A_105 = arith.constant 0 : i32
      %dma_wait3A_106 = arith.constant 0 : i32
      %dma_wait3A_107 = tpu.memref_slice %arg2[%add3A, %dma_wait3A_105, %dma_wait3A_106] : memref<32x2x128xi32, #tpu.memory_space<hbm>> -> memref<1x2x128xi32, #tpu.memory_space<hbm>>
      %dma_wait3A_108 = tpu.memref_squeeze %dma_wait3A_107 : memref<1x2x128xi32, #tpu.memory_space<hbm>> -> memref<2x128xi32, #tpu.memory_space<hbm>>
      %dma_wait3A_109 = arith.constant 0 : i32
      %dma_wait3A_110 = arith.constant 0 : i32
      %dma_wait3A_111 = tpu.memref_slice %arg2[%add3A, %dma_wait3A_109, %dma_wait3A_110] : memref<32x2x128xi32, #tpu.memory_space<hbm>> -> memref<1x2x128xi32, #tpu.memory_space<hbm>>
      %dma_wait3A_112 = tpu.memref_squeeze %dma_wait3A_111 : memref<1x2x128xi32, #tpu.memory_space<hbm>> -> memref<2x128xi32, #tpu.memory_space<hbm>>
      tpu.wait_dma2 semaphore(%run_scoped3A : memref<!tpu.dma_semaphore, #tpu.memory_space<semaphore_mem>>) src(%dma_wait3A_112 : memref<2x128xi32, #tpu.memory_space<hbm>>) dst(%arg8 : memref<2x128xi32, #tpu.memory_space<vmem>>)
      tpu.yield
    }) : () -> ()
    "tpu.region"() ({
      %run_scoped3A = tpu.sem_alloc : memref<!tpu.dma_semaphore, #tpu.memory_space<semaphore_mem>>
      %dma_start3A_97 = arith.constant 0 : i32
      %dma_start3A_98 = arith.constant 0 : i32
      %dma_start3A_99 = tpu.memref_slice %arg3[%add3A, %dma_start3A_97, %dma_start3A_98] : memref<32x2x128xi32, #tpu.memory_space<hbm>> -> memref<1x2x128xi32, #tpu.memory_space<hbm>>
      %dma_start3A_100 = tpu.memref_squeeze %dma_start3A_99 : memref<1x2x128xi32, #tpu.memory_space<hbm>> -> memref<2x128xi32, #tpu.memory_space<hbm>>
      %dma_start3A_101 = arith.constant 0 : i32
      %dma_start3A_102 = arith.constant 0 : i32
      %dma_start3A_103 = tpu.memref_slice %arg3[%add3A, %dma_start3A_101, %dma_start3A_102] : memref<32x2x128xi32, #tpu.memory_space<hbm>> -> memref<1x2x128xi32, #tpu.memory_space<hbm>>
      %dma_start3A_104 = tpu.memref_squeeze %dma_start3A_103 : memref<1x2x128xi32, #tpu.memory_space<hbm>> -> memref<2x128xi32, #tpu.memory_space<hbm>>
      tpu.enqueue_dma source(%dma_start3A_104 : memref<2x128xi32, #tpu.memory_space<hbm>>) target(%arg9 : memref<2x128xi32, #tpu.memory_space<vmem>>) target_semaphore(%run_scoped3A : memref<!tpu.dma_semaphore, #tpu.memory_space<semaphore_mem>>)
      %dma_wait3A_105 = arith.constant 0 : i32
      %dma_wait3A_106 = arith.constant 0 : i32
      %dma_wait3A_107 = tpu.memref_slice %arg3[%add3A, %dma_wait3A_105, %dma_wait3A_106] : memref<32x2x128xi32, #tpu.memory_space<hbm>> -> memref<1x2x128xi32, #tpu.memory_space<hbm>>
      %dma_wait3A_108 = tpu.memref_squeeze %dma_wait3A_107 : memref<1x2x128xi32, #tpu.memory_space<hbm>> -> memref<2x128xi32, #tpu.memory_space<hbm>>
      %dma_wait3A_109 = arith.constant 0 : i32
      %dma_wait3A_110 = arith.constant 0 : i32
      %dma_wait3A_111 = tpu.memref_slice %arg3[%add3A, %dma_wait3A_109, %dma_wait3A_110] : memref<32x2x128xi32, #tpu.memory_space<hbm>> -> memref<1x2x128xi32, #tpu.memory_space<hbm>>
      %dma_wait3A_112 = tpu.memref_squeeze %dma_wait3A_111 : memref<1x2x128xi32, #tpu.memory_space<hbm>> -> memref<2x128xi32, #tpu.memory_space<hbm>>
      tpu.wait_dma2 semaphore(%run_scoped3A : memref<!tpu.dma_semaphore, #tpu.memory_space<semaphore_mem>>) src(%dma_wait3A_112 : memref<2x128xi32, #tpu.memory_space<hbm>>) dst(%arg9 : memref<2x128xi32, #tpu.memory_space<vmem>>)
      tpu.yield
    }) : () -> ()
    %dma_start3A = arith.constant 0 : i32
    %dma_start3A_3 = arith.constant 0 : i32
    %dma_start3A_4 = arith.constant 0 : i32
    %dma_start3A_5 = tpu.memref_slice %arg10[%dma_start3A_3, %dma_start3A_4] : memref<256x64xi32, #tpu.memory_space<vmem>> -> memref<128x64xi32, #tpu.memory_space<vmem>>
    %dma_start3A_6 = arith.constant 0 : i32
    %dma_start3A_7 = tpu.memref_slice %arg8[%dma_start3A, %dma_start3A_6] : memref<2x128xi32, #tpu.memory_space<vmem>> -> memref<1x128xi32, #tpu.memory_space<vmem>>
    %dma_start3A_8 = tpu.memref_squeeze %dma_start3A_7 : memref<1x128xi32, #tpu.memory_space<vmem>> -> memref<128xi32, #tpu.memory_space<vmem>>
    %dma_start3A_9 = arith.constant 0 : i32
    %dma_start3A_10 = arith.constant 0 : i32
    %dma_start3A_11 = tpu.memref_slice %arg4[%dma_start3A_9, %dma_start3A_10] : memref<1000x64xi32, #tpu.memory_space<hbm>> -> memref<1000x64xi32, #tpu.memory_space<hbm>>
    tpu.enqueue_indirect_dma source(%dma_start3A_11 : memref<1000x64xi32, #tpu.memory_space<hbm>>) target(%dma_start3A_5 : memref<128x64xi32, #tpu.memory_space<vmem>>) offsets(%dma_start3A_8 : memref<128xi32, #tpu.memory_space<vmem>>) semaphore(%arg12 : memref<!tpu.dma_semaphore, #tpu.memory_space<semaphore_mem>>)
    %dma_start3A_12 = arith.constant 1 : i32
    %dma_start3A_13 = arith.constant 128 : i32
    %dma_start3A_14 = arith.constant 0 : i32
    %dma_start3A_15 = tpu.memref_slice %arg10[%dma_start3A_13, %dma_start3A_14] : memref<256x64xi32, #tpu.memory_space<vmem>> -> memref<128x64xi32, #tpu.memory_space<vmem>>
    %dma_start3A_16 = arith.constant 0 : i32
    %dma_start3A_17 = tpu.memref_slice %arg8[%dma_start3A_12, %dma_start3A_16] : memref<2x128xi32, #tpu.memory_space<vmem>> -> memref<1x128xi32, #tpu.memory_space<vmem>>
    %dma_start3A_18 = tpu.memref_squeeze %dma_start3A_17 : memref<1x128xi32, #tpu.memory_space<vmem>> -> memref<128xi32, #tpu.memory_space<vmem>>
    %dma_start3A_19 = arith.constant 0 : i32
    %dma_start3A_20 = arith.constant 0 : i32
    %dma_start3A_21 = tpu.memref_slice %arg4[%dma_start3A_19, %dma_start3A_20] : memref<1000x64xi32, #tpu.memory_space<hbm>> -> memref<1000x64xi32, #tpu.memory_space<hbm>>
    tpu.enqueue_indirect_dma source(%dma_start3A_21 : memref<1000x64xi32, #tpu.memory_space<hbm>>) target(%dma_start3A_15 : memref<128x64xi32, #tpu.memory_space<vmem>>) offsets(%dma_start3A_18 : memref<128xi32, #tpu.memory_space<vmem>>) semaphore(%arg12 : memref<!tpu.dma_semaphore, #tpu.memory_space<semaphore_mem>>)
    %dma_start3A_22 = arith.constant 0 : i32
    %dma_start3A_23 = arith.constant 0 : i32
    %dma_start3A_24 = arith.constant 0 : i32
    %dma_start3A_25 = tpu.memref_slice %arg11[%dma_start3A_23, %dma_start3A_24] : memref<256x64xi32, #tpu.memory_space<vmem>> -> memref<128x64xi32, #tpu.memory_space<vmem>>
    %dma_start3A_26 = arith.constant 0 : i32
    %dma_start3A_27 = tpu.memref_slice %arg9[%dma_start3A_22, %dma_start3A_26] : memref<2x128xi32, #tpu.memory_space<vmem>> -> memref<1x128xi32, #tpu.memory_space<vmem>>
    %dma_start3A_28 = tpu.memref_squeeze %dma_start3A_27 : memref<1x128xi32, #tpu.memory_space<vmem>> -> memref<128xi32, #tpu.memory_space<vmem>>
    %dma_start3A_29 = arith.constant 0 : i32
    %dma_start3A_30 = arith.constant 0 : i32
    %dma_start3A_31 = tpu.memref_slice %arg5[%dma_start3A_29, %dma_start3A_30] : memref<1000x64xi32, #tpu.memory_space<hbm>> -> memref<1000x64xi32, #tpu.memory_space<hbm>>
    tpu.enqueue_indirect_dma source(%dma_start3A_31 : memref<1000x64xi32, #tpu.memory_space<hbm>>) target(%dma_start3A_25 : memref<128x64xi32, #tpu.memory_space<vmem>>) offsets(%dma_start3A_28 : memref<128xi32, #tpu.memory_space<vmem>>) semaphore(%arg12 : memref<!tpu.dma_semaphore, #tpu.memory_space<semaphore_mem>>)
    %dma_start3A_32 = arith.constant 1 : i32
    %dma_start3A_33 = arith.constant 128 : i32
    %dma_start3A_34 = arith.constant 0 : i32
    %dma_start3A_35 = tpu.memref_slice %arg11[%dma_start3A_33, %dma_start3A_34] : memref<256x64xi32, #tpu.memory_space<vmem>> -> memref<128x64xi32, #tpu.memory_space<vmem>>
    %dma_start3A_36 = arith.constant 0 : i32
    %dma_start3A_37 = tpu.memref_slice %arg9[%dma_start3A_32, %dma_start3A_36] : memref<2x128xi32, #tpu.memory_space<vmem>> -> memref<1x128xi32, #tpu.memory_space<vmem>>
    %dma_start3A_38 = tpu.memref_squeeze %dma_start3A_37 : memref<1x128xi32, #tpu.memory_space<vmem>> -> memref<128xi32, #tpu.memory_space<vmem>>
    %dma_start3A_39 = arith.constant 0 : i32
    %dma_start3A_40 = arith.constant 0 : i32
    %dma_start3A_41 = tpu.memref_slice %arg5[%dma_start3A_39, %dma_start3A_40] : memref<1000x64xi32, #tpu.memory_space<hbm>> -> memref<1000x64xi32, #tpu.memory_space<hbm>>
    tpu.enqueue_indirect_dma source(%dma_start3A_41 : memref<1000x64xi32, #tpu.memory_space<hbm>>) target(%dma_start3A_35 : memref<128x64xi32, #tpu.memory_space<vmem>>) offsets(%dma_start3A_38 : memref<128xi32, #tpu.memory_space<vmem>>) semaphore(%arg12 : memref<!tpu.dma_semaphore, #tpu.memory_space<semaphore_mem>>)
    %dma_wait3A = arith.constant 0 : i32
    %dma_wait3A_42 = arith.constant 0 : i32
    %dma_wait3A_43 = arith.constant 0 : i32
    %dma_wait3A_44 = tpu.memref_slice %arg10[%dma_wait3A_42, %dma_wait3A_43] : memref<256x64xi32, #tpu.memory_space<vmem>> -> memref<128x64xi32, #tpu.memory_space<vmem>>
    %dma_wait3A_45 = arith.constant 0 : i32
    %dma_wait3A_46 = tpu.memref_slice %arg8[%dma_wait3A, %dma_wait3A_45] : memref<2x128xi32, #tpu.memory_space<vmem>> -> memref<1x128xi32, #tpu.memory_space<vmem>>
    %dma_wait3A_47 = tpu.memref_squeeze %dma_wait3A_46 : memref<1x128xi32, #tpu.memory_space<vmem>> -> memref<128xi32, #tpu.memory_space<vmem>>
    %dma_wait3A_48 = arith.constant 0 : i32
    %dma_wait3A_49 = arith.constant 0 : i32
    %dma_wait3A_50 = tpu.memref_slice %arg4[%dma_wait3A_48, %dma_wait3A_49] : memref<1000x64xi32, #tpu.memory_space<hbm>> -> memref<1000x64xi32, #tpu.memory_space<hbm>>
    tpu.wait_indirect_dma semaphore(%arg12 : memref<!tpu.dma_semaphore, #tpu.memory_space<semaphore_mem>>) src(%dma_wait3A_50 : memref<1000x64xi32, #tpu.memory_space<hbm>>) dst(%dma_wait3A_44 : memref<128x64xi32, #tpu.memory_space<vmem>>)
    %dma_wait3A_51 = arith.constant 1 : i32
    %dma_wait3A_52 = arith.constant 128 : i32
    %dma_wait3A_53 = arith.constant 0 : i32
    %dma_wait3A_54 = tpu.memref_slice %arg10[%dma_wait3A_52, %dma_wait3A_53] : memref<256x64xi32, #tpu.memory_space<vmem>> -> memref<128x64xi32, #tpu.memory_space<vmem>>
    %dma_wait3A_55 = arith.constant 0 : i32
    %dma_wait3A_56 = tpu.memref_slice %arg8[%dma_wait3A_51, %dma_wait3A_55] : memref<2x128xi32, #tpu.memory_space<vmem>> -> memref<1x128xi32, #tpu.memory_space<vmem>>
    %dma_wait3A_57 = tpu.memref_squeeze %dma_wait3A_56 : memref<1x128xi32, #tpu.memory_space<vmem>> -> memref<128xi32, #tpu.memory_space<vmem>>
    %dma_wait3A_58 = arith.constant 0 : i32
    %dma_wait3A_59 = arith.constant 0 : i32
    %dma_wait3A_60 = tpu.memref_slice %arg4[%dma_wait3A_58, %dma_wait3A_59] : memref<1000x64xi32, #tpu.memory_space<hbm>> -> memref<1000x64xi32, #tpu.memory_space<hbm>>
    tpu.wait_indirect_dma semaphore(%arg12 : memref<!tpu.dma_semaphore, #tpu.memory_space<semaphore_mem>>) src(%dma_wait3A_60 : memref<1000x64xi32, #tpu.memory_space<hbm>>) dst(%dma_wait3A_54 : memref<128x64xi32, #tpu.memory_space<vmem>>)
    %dma_start3A_61 = arith.constant 0 : i32
    %dma_start3A_62 = tpu.memref_slice %arg6[%mul3A_2, %dma_start3A_61] : memref<8192x64xi32, #tpu.memory_space<hbm>> -> memref<256x64xi32, #tpu.memory_space<hbm>>
    %dma_start3A_63 = arith.constant 0 : i32
    %dma_start3A_64 = tpu.memref_slice %arg6[%mul3A_2, %dma_start3A_63] : memref<8192x64xi32, #tpu.memory_space<hbm>> -> memref<256x64xi32, #tpu.memory_space<hbm>>
    tpu.enqueue_dma source(%arg10 : memref<256x64xi32, #tpu.memory_space<vmem>>) target(%dma_start3A_64 : memref<256x64xi32, #tpu.memory_space<hbm>>) target_semaphore(%arg13 : memref<!tpu.dma_semaphore, #tpu.memory_space<semaphore_mem>>)
    %dma_wait3A_65 = arith.constant 0 : i32
    %dma_wait3A_66 = arith.constant 0 : i32
    %dma_wait3A_67 = arith.constant 0 : i32
    %dma_wait3A_68 = tpu.memref_slice %arg11[%dma_wait3A_66, %dma_wait3A_67] : memref<256x64xi32, #tpu.memory_space<vmem>> -> memref<128x64xi32, #tpu.memory_space<vmem>>
    %dma_wait3A_69 = arith.constant 0 : i32
    %dma_wait3A_70 = tpu.memref_slice %arg9[%dma_wait3A_65, %dma_wait3A_69] : memref<2x128xi32, #tpu.memory_space<vmem>> -> memref<1x128xi32, #tpu.memory_space<vmem>>
    %dma_wait3A_71 = tpu.memref_squeeze %dma_wait3A_70 : memref<1x128xi32, #tpu.memory_space<vmem>> -> memref<128xi32, #tpu.memory_space<vmem>>
    %dma_wait3A_72 = arith.constant 0 : i32
    %dma_wait3A_73 = arith.constant 0 : i32
    %dma_wait3A_74 = tpu.memref_slice %arg5[%dma_wait3A_72, %dma_wait3A_73] : memref<1000x64xi32, #tpu.memory_space<hbm>> -> memref<1000x64xi32, #tpu.memory_space<hbm>>
    tpu.wait_indirect_dma semaphore(%arg12 : memref<!tpu.dma_semaphore, #tpu.memory_space<semaphore_mem>>) src(%dma_wait3A_74 : memref<1000x64xi32, #tpu.memory_space<hbm>>) dst(%dma_wait3A_68 : memref<128x64xi32, #tpu.memory_space<vmem>>)
    %dma_wait3A_75 = arith.constant 1 : i32
    %dma_wait3A_76 = arith.constant 128 : i32
    %dma_wait3A_77 = arith.constant 0 : i32
    %dma_wait3A_78 = tpu.memref_slice %arg11[%dma_wait3A_76, %dma_wait3A_77] : memref<256x64xi32, #tpu.memory_space<vmem>> -> memref<128x64xi32, #tpu.memory_space<vmem>>
    %dma_wait3A_79 = arith.constant 0 : i32
    %dma_wait3A_80 = tpu.memref_slice %arg9[%dma_wait3A_75, %dma_wait3A_79] : memref<2x128xi32, #tpu.memory_space<vmem>> -> memref<1x128xi32, #tpu.memory_space<vmem>>
    %dma_wait3A_81 = tpu.memref_squeeze %dma_wait3A_80 : memref<1x128xi32, #tpu.memory_space<vmem>> -> memref<128xi32, #tpu.memory_space<vmem>>
    %dma_wait3A_82 = arith.constant 0 : i32
    %dma_wait3A_83 = arith.constant 0 : i32
    %dma_wait3A_84 = tpu.memref_slice %arg5[%dma_wait3A_82, %dma_wait3A_83] : memref<1000x64xi32, #tpu.memory_space<hbm>> -> memref<1000x64xi32, #tpu.memory_space<hbm>>
    tpu.wait_indirect_dma semaphore(%arg12 : memref<!tpu.dma_semaphore, #tpu.memory_space<semaphore_mem>>) src(%dma_wait3A_84 : memref<1000x64xi32, #tpu.memory_space<hbm>>) dst(%dma_wait3A_78 : memref<128x64xi32, #tpu.memory_space<vmem>>)
    %dma_start3A_85 = arith.constant 0 : i32
    %dma_start3A_86 = tpu.memref_slice %arg7[%mul3A_2, %dma_start3A_85] : memref<8192x64xi32, #tpu.memory_space<hbm>> -> memref<256x64xi32, #tpu.memory_space<hbm>>
    %dma_start3A_87 = arith.constant 0 : i32
    %dma_start3A_88 = tpu.memref_slice %arg7[%mul3A_2, %dma_start3A_87] : memref<8192x64xi32, #tpu.memory_space<hbm>> -> memref<256x64xi32, #tpu.memory_space<hbm>>
    tpu.enqueue_dma source(%arg11 : memref<256x64xi32, #tpu.memory_space<vmem>>) target(%dma_start3A_88 : memref<256x64xi32, #tpu.memory_space<hbm>>) target_semaphore(%arg13 : memref<!tpu.dma_semaphore, #tpu.memory_space<semaphore_mem>>)
    %dma_wait3A_89 = arith.constant 0 : i32
    %dma_wait3A_90 = tpu.memref_slice %arg6[%mul3A_2, %dma_wait3A_89] : memref<8192x64xi32, #tpu.memory_space<hbm>> -> memref<256x64xi32, #tpu.memory_space<hbm>>
    %dma_wait3A_91 = arith.constant 0 : i32
    %dma_wait3A_92 = tpu.memref_slice %arg6[%mul3A_2, %dma_wait3A_91] : memref<8192x64xi32, #tpu.memory_space<hbm>> -> memref<256x64xi32, #tpu.memory_space<hbm>>
    tpu.wait_dma2 semaphore(%arg13 : memref<!tpu.dma_semaphore, #tpu.memory_space<semaphore_mem>>) src(%arg10 : memref<256x64xi32, #tpu.memory_space<vmem>>) dst(%dma_wait3A_92 : memref<256x64xi32, #tpu.memory_space<hbm>>)
    %dma_wait3A_93 = arith.constant 0 : i32
    %dma_wait3A_94 = tpu.memref_slice %arg7[%mul3A_2, %dma_wait3A_93] : memref<8192x64xi32, #tpu.memory_space<hbm>> -> memref<256x64xi32, #tpu.memory_space<hbm>>
    %dma_wait3A_95 = arith.constant 0 : i32
    %dma_wait3A_96 = tpu.memref_slice %arg7[%mul3A_2, %dma_wait3A_95] : memref<8192x64xi32, #tpu.memory_space<hbm>> -> memref<256x64xi32, #tpu.memory_space<hbm>>
    tpu.wait_dma2 semaphore(%arg13 : memref<!tpu.dma_semaphore, #tpu.memory_space<semaphore_mem>>) src(%arg11 : memref<256x64xi32, #tpu.memory_space<vmem>>) dst(%dma_wait3A_96 : memref<256x64xi32, #tpu.memory_space<hbm>>)
    return
  }
}

#map = affine_map<(d0, d1) -> (0, 0, 0)>
#map1 = affine_map<(d0, d1) -> (0, 0)>
module attributes {stable_mosaic.version = 14 : i64} {
  func.func @k(%arg0: i32, %arg1: i32, %arg2: memref<32x2x128xi32, #tpu.memory_space<hbm>>, %arg3: memref<32x2x128xi32, #tpu.memory_space<hbm>>, %arg4: memref<1000x64xi32, #tpu.memory_space<hbm>>, %arg5: memref<1000x64xi32, #tpu.memory_space<hbm>>, %arg6: memref<8192x64xi32, #tpu.memory_space<hbm>>, %arg7: memref<8192x64xi32, #tpu.memory_space<hbm>>, %arg8: memref<2x128xi32, #tpu.memory_space<vmem>>, %arg9: memref<2x128xi32, #tpu.memory_space<vmem>>, %arg10: memref<256x64xi32, #tpu.memory_space<vmem>>, %arg11: memref<256x64xi32, #tpu.memory_space<vmem>>, %arg12: memref<!tpu.dma_semaphore, #tpu.memory_space<semaphore_mem>>, %arg13: memref<!tpu.dma_semaphore, #tpu.memory_space<semaphore_mem>>) attributes {dimension_semantics = [#tpu.dimension_semantics<core_parallel>, #tpu.dimension_semantics<subcore_parallel>], iteration_bounds = array<i64: 2, 16>, scalar_prefetch = 0 : i64, scratch_operands = 6 : i64, tpu.core_type = #tpu.core_type<sc_vector_subcore>, window_params = [{transform_indices = #map}, {transform_indices = #map}, {transform_indices = #map1}, {transform_indices = #map1}, {transform_indices = #map1}, {transform_indices = #map1}]} {
    %mul3A = arith.constant 2 : i32
    %mul3A_0 = arith.muli %arg1, %mul3A : i32
    %add3A = arith.addi %mul3A_0, %arg0 : i32
    %mul3A_1 = arith.constant 256 : i32
    %mul3A_2 = arith.muli %add3A, %mul3A_1 : i32
    "tpu.region"() ({
      %run_scoped3A = tpu.sem_alloc : memref<!tpu.dma_semaphore, #tpu.memory_space<semaphore_mem>>
      %dma_start3A_97 = arith.constant 0 : i32
      %dma_start3A_98 = arith.constant 0 : i32
      %dma_start3A_99 = tpu.memref_slice %arg2[%add3A, %dma_start3A_97, %dma_start3A_98] : memref<32x2x128xi32, #tpu.memory_space<hbm>> -> memref<1x2x128xi32, #tpu.memory_space<hbm>>
      %dma_start3A_100 = tpu.memref_squeeze %dma_start3A_99 : memref<1x2x128xi32, #tpu.memory_space<hbm>> -> memref<2x128xi32, #tpu.memory_space<hbm>>
      %dma_start3A_101 = arith.constant 0 : i32
      %dma_start3A_102 = arith.constant 0 : i32
      %dma_start3A_103 = tpu.memref_slice %arg2[%add3A, %dma_start3A_101, %dma_start3A_102] : memref<32x2x128xi32, #tpu.memory_space<hbm>> -> memref<1x2x128xi32, #tpu.memory_space<hbm>>
      %dma_start3A_104 = tpu.memref_squeeze %dma_start3A_103 : memref<1x2x128xi32, #tpu.memory_space<hbm>> -> memref<2x128xi32, #tpu.memory_space<hbm>>
      tpu.enqueue_dma source(%dma_start3A_104 : memref<2x128xi32, #tpu.memory_space<hbm>>) target(%arg8 : memref<2x128xi32, #tpu.memory_space<vmem>>) target_semaphore(%run_scoped3A : memref<!tpu.dma_semaphore, #tpu.memory_space<semaphore_mem>>)
      %dma_wait3A_105 = arith.constant 0 : i32
      %dma_wait3A_106 = arith.constant 0 : i32
      %dma_wait3A_107 = tpu.memref_slice %arg2[%add3A, %dma_wait3A_105, %dma_wait3A_106] : memref<32x2x128xi32, #tpu.memory_space<hbm>> -> memref<1x2x128xi32, #tpu.memory_space<hbm>>
      %dma_wait3A_108 = tpu.memref_squeeze %dma_wait3A_107 : memref<1x2x128xi32, #tpu.memory_space<hbm>> -> memref<2x128xi32, #tpu.memory_space<hbm>>
      %dma_wait3A_109 = arith.constant 0 : i32
      %dma_wait3A_110 = arith.constant 0 : i32
      %dma_wait3A_111 = tpu.memref_slice %arg2[%add3A, %dma_wait3A_109, %dma_wait3A_110] : memref<32x2x128xi32, #tpu.memory_space<hbm>> -> memref<1x2x128xi32, #tpu.memory_space<hbm>>
      %dma_wait3A_112 = tpu.memref_squeeze %dma_wait3A_111 : memref<1x2x128xi32, #tpu.memory_space<hbm>> -> memref<2x128xi32, #tpu.memory_space<hbm>>
      tpu.wait_dma2 semaphore(%run_scoped3A : memref<!tpu.dma_semaphore, #tpu.memory_space<semaphore_mem>>) src(%dma_wait3A_112 : memref<2x128xi32, #tpu.memory_space<hbm>>) dst(%arg8 : memref<2x128xi32, #tpu.memory_space<vmem>>)
      tpu.yield
    }) : () -> ()
    "tpu.region"() ({
      %run_scoped3A = tpu.sem_alloc : memref<!tpu.dma_semaphore, #tpu.memory_space<semaphore_mem>>
      %dma_start3A_97 = arith.constant 0 : i32
      %dma_start3A_98 = arith.constant 0 : i32
      %dma_start3A_99 = tpu.memref_slice %arg3[%add3A, %dma_start3A_97, %dma_start3A_98] : memref<32x2x128xi32, #tpu.memory_space<hbm>> -> memref<1x2x128xi32, #tpu.memory_space<hbm>>
      %dma_start3A_100 = tpu.memref_squeeze %dma_start3A_99 : memref<1x2x128xi32, #tpu.memory_space<hbm>> -> memref<2x128xi32, #tpu.memory_space<hbm>>
      %dma_start3A_101 = arith.constant 0 : i32
      %dma_start3A_102 = arith.constant 0 : i32
      %dma_start3A_103 = tpu.memref_slice %arg3[%add3A, %dma_start3A_101, %dma_start3A_102] : memref<32x2x128xi32, #tpu.memory_space<hbm>> -> memref<1x2x128xi32, #tpu.memory_space<hbm>>
      %dma_start3A_104 = tpu.memref_squeeze %dma_start3A_103 : memref<1x2x128xi32, #tpu.memory_space<hbm>> -> memref<2x128xi32, #tpu.memory_space<hbm>>
      tpu.enqueue_dma source(%dma_start3A_104 : memref<2x128xi32, #tpu.memory_space<hbm>>) target(%arg9 : memref<2x128xi32, #tpu.memory_space<vmem>>) target_semaphore(%run_scoped3A : memref<!tpu.dma_semaphore, #tpu.memory_space<semaphore_mem>>)
      %dma_wait3A_105 = arith.constant 0 : i32
      %dma_wait3A_106 = arith.constant 0 : i32
      %dma_wait3A_107 = tpu.memref_slice %arg3[%add3A, %dma_wait3A_105, %dma_wait3A_106] : memref<32x2x128xi32, #tpu.memory_space<hbm>> -> memref<1x2x128xi32, #tpu.memory_space<hbm>>
      %dma_wait3A_108 = tpu.memref_squeeze %dma_wait3A_107 : memref<1x2x128xi32, #tpu.memory_space<hbm>> -> memref<2x128xi32, #tpu.memory_space<hbm>>
      %dma_wait3A_109 = arith.constant 0 : i32
      %dma_wait3A_110 = arith.constant 0 : i32
      %dma_wait3A_111 = tpu.memref_slice %arg3[%add3A, %dma_wait3A_109, %dma_wait3A_110] : memref<32x2x128xi32, #tpu.memory_space<hbm>> -> memref<1x2x128xi32, #tpu.memory_space<hbm>>
      %dma_wait3A_112 = tpu.memref_squeeze %dma_wait3A_111 : memref<1x2x128xi32, #tpu.memory_space<hbm>> -> memref<2x128xi32, #tpu.memory_space<hbm>>
      tpu.wait_dma2 semaphore(%run_scoped3A : memref<!tpu.dma_semaphore, #tpu.memory_space<semaphore_mem>>) src(%dma_wait3A_112 : memref<2x128xi32, #tpu.memory_space<hbm>>) dst(%arg9 : memref<2x128xi32, #tpu.memory_space<vmem>>)
      tpu.yield
    }) : () -> ()
    %dma_start3A = arith.constant 0 : i32
    %dma_start3A_3 = arith.constant 0 : i32
    %dma_start3A_4 = arith.constant 0 : i32
    %dma_start3A_5 = tpu.memref_slice %arg10[%dma_start3A_3, %dma_start3A_4] : memref<256x64xi32, #tpu.memory_space<vmem>> -> memref<128x64xi32, #tpu.memory_space<vmem>>
    %dma_start3A_6 = arith.constant 0 : i32
    %dma_start3A_7 = tpu.memref_slice %arg8[%dma_start3A, %dma_start3A_6] : memref<2x128xi32, #tpu.memory_space<vmem>> -> memref<1x128xi32, #tpu.memory_space<vmem>>
    %dma_start3A_8 = tpu.memref_squeeze %dma_start3A_7 : memref<1x128xi32, #tpu.memory_space<vmem>> -> memref<128xi32, #tpu.memory_space<vmem>>
    %dma_start3A_9 = arith.constant 0 : i32
    %dma_start3A_10 = arith.constant 0 : i32
    %dma_start3A_11 = tpu.memref_slice %arg4[%dma_start3A_9, %dma_start3A_10] : memref<1000x64xi32, #tpu.memory_space<hbm>> -> memref<1000x64xi32, #tpu.memory_space<hbm>>
    tpu.enqueue_indirect_dma source(%dma_start3A_11 : memref<1000x64xi32, #tpu.memory_space<hbm>>) target(%dma_start3A_5 : memref<128x64xi32, #tpu.memory_space<vmem>>) offsets(%dma_start3A_8 : memref<128xi32, #tpu.memory_space<vmem>>) semaphore(%arg12 : memref<!tpu.dma_semaphore, #tpu.memory_space<semaphore_mem>>)
    %dma_start3A_12 = arith.constant 1 : i32
    %dma_start3A_13 = arith.constant 128 : i32
    %dma_start3A_14 = arith.constant 0 : i32
    %dma_start3A_15 = tpu.memref_slice %arg10[%dma_start3A_13, %dma_start3A_14] : memref<256x64xi32, #tpu.memory_space<vmem>> -> memref<128x64xi32, #tpu.memory_space<vmem>>
    %dma_start3A_16 = arith.constant 0 : i32
    %dma_start3A_17 = tpu.memref_slice %arg8[%dma_start3A_12, %dma_start3A_16] : memref<2x128xi32, #tpu.memory_space<vmem>> -> memref<1x128xi32, #tpu.memory_space<vmem>>
    %dma_start3A_18 = tpu.memref_squeeze %dma_start3A_17 : memref<1x128xi32, #tpu.memory_space<vmem>> -> memref<128xi32, #tpu.memory_space<vmem>>
    %dma_start3A_19 = arith.constant 0 : i32
    %dma_start3A_20 = arith.constant 0 : i32
    %dma_start3A_21 = tpu.memref_slice %arg4[%dma_start3A_19, %dma_start3A_20] : memref<1000x64xi32, #tpu.memory_space<hbm>> -> memref<1000x64xi32, #tpu.memory_space<hbm>>
    tpu.enqueue_indirect_dma source(%dma_start3A_21 : memref<1000x64xi32, #tpu.memory_space<hbm>>) target(%dma_start3A_15 : memref<128x64xi32, #tpu.memory_space<vmem>>) offsets(%dma_start3A_18 : memref<128xi32, #tpu.memory_space<vmem>>) semaphore(%arg12 : memref<!tpu.dma_semaphore, #tpu.memory_space<semaphore_mem>>)
    %dma_start3A_22 = arith.constant 0 : i32
    %dma_start3A_23 = arith.constant 0 : i32
    %dma_start3A_24 = arith.constant 0 : i32
    %dma_start3A_25 = tpu.memref_slice %arg11[%dma_start3A_23, %dma_start3A_24] : memref<256x64xi32, #tpu.memory_space<vmem>> -> memref<128x64xi32, #tpu.memory_space<vmem>>
    %dma_start3A_26 = arith.constant 0 : i32
    %dma_start3A_27 = tpu.memref_slice %arg9[%dma_start3A_22, %dma_start3A_26] : memref<2x128xi32, #tpu.memory_space<vmem>> -> memref<1x128xi32, #tpu.memory_space<vmem>>
    %dma_start3A_28 = tpu.memref_squeeze %dma_start3A_27 : memref<1x128xi32, #tpu.memory_space<vmem>> -> memref<128xi32, #tpu.memory_space<vmem>>
    %dma_start3A_29 = arith.constant 0 : i32
    %dma_start3A_30 = arith.constant 0 : i32
    %dma_start3A_31 = tpu.memref_slice %arg5[%dma_start3A_29, %dma_start3A_30] : memref<1000x64xi32, #tpu.memory_space<hbm>> -> memref<1000x64xi32, #tpu.memory_space<hbm>>
    tpu.enqueue_indirect_dma source(%dma_start3A_31 : memref<1000x64xi32, #tpu.memory_space<hbm>>) target(%dma_start3A_25 : memref<128x64xi32, #tpu.memory_space<vmem>>) offsets(%dma_start3A_28 : memref<128xi32, #tpu.memory_space<vmem>>) semaphore(%arg12 : memref<!tpu.dma_semaphore, #tpu.memory_space<semaphore_mem>>)
    %dma_start3A_32 = arith.constant 1 : i32
    %dma_start3A_33 = arith.constant 128 : i32
    %dma_start3A_34 = arith.constant 0 : i32
    %dma_start3A_35 = tpu.memref_slice %arg11[%dma_start3A_33, %dma_start3A_34] : memref<256x64xi32, #tpu.memory_space<vmem>> -> memref<128x64xi32, #tpu.memory_space<vmem>>
    %dma_start3A_36 = arith.constant 0 : i32
    %dma_start3A_37 = tpu.memref_slice %arg9[%dma_start3A_32, %dma_start3A_36] : memref<2x128xi32, #tpu.memory_space<vmem>> -> memref<1x128xi32, #tpu.memory_space<vmem>>
    %dma_start3A_38 = tpu.memref_squeeze %dma_start3A_37 : memref<1x128xi32, #tpu.memory_space<vmem>> -> memref<128xi32, #tpu.memory_space<vmem>>
    %dma_start3A_39 = arith.constant 0 : i32
    %dma_start3A_40 = arith.constant 0 : i32
    %dma_start3A_41 = tpu.memref_slice %arg5[%dma_start3A_39, %dma_start3A_40] : memref<1000x64xi32, #tpu.memory_space<hbm>> -> memref<1000x64xi32, #tpu.memory_space<hbm>>
    tpu.enqueue_indirect_dma source(%dma_start3A_41 : memref<1000x64xi32, #tpu.memory_space<hbm>>) target(%dma_start3A_35 : memref<128x64xi32, #tpu.memory_space<vmem>>) offsets(%dma_start3A_38 : memref<128xi32, #tpu.memory_space<vmem>>) semaphore(%arg12 : memref<!tpu.dma_semaphore, #tpu.memory_space<semaphore_mem>>)
    %dma_wait3A = arith.constant 0 : i32
    %dma_wait3A_42 = arith.constant 0 : i32
    %dma_wait3A_43 = arith.constant 0 : i32
    %dma_wait3A_44 = tpu.memref_slice %arg10[%dma_wait3A_42, %dma_wait3A_43] : memref<256x64xi32, #tpu.memory_space<vmem>> -> memref<128x64xi32, #tpu.memory_space<vmem>>
    %dma_wait3A_45 = arith.constant 0 : i32
    %dma_wait3A_46 = tpu.memref_slice %arg8[%dma_wait3A, %dma_wait3A_45] : memref<2x128xi32, #tpu.memory_space<vmem>> -> memref<1x128xi32, #tpu.memory_space<vmem>>
    %dma_wait3A_47 = tpu.memref_squeeze %dma_wait3A_46 : memref<1x128xi32, #tpu.memory_space<vmem>> -> memref<128xi32, #tpu.memory_space<vmem>>
    %dma_wait3A_48 = arith.constant 0 : i32
    %dma_wait3A_49 = arith.constant 0 : i32
    %dma_wait3A_50 = tpu.memref_slice %arg4[%dma_wait3A_48, %dma_wait3A_49] : memref<1000x64xi32, #tpu.memory_space<hbm>> -> memref<1000x64xi32, #tpu.memory_space<hbm>>
    tpu.wait_indirect_dma semaphore(%arg12 : memref<!tpu.dma_semaphore, #tpu.memory_space<semaphore_mem>>) src(%dma_wait3A_50 : memref<1000x64xi32, #tpu.memory_space<hbm>>) dst(%dma_wait3A_44 : memref<128x64xi32, #tpu.memory_space<vmem>>)
    %dma_wait3A_51 = arith.constant 1 : i32
    %dma_wait3A_52 = arith.constant 128 : i32
    %dma_wait3A_53 = arith.constant 0 : i32
    %dma_wait3A_54 = tpu.memref_slice %arg10[%dma_wait3A_52, %dma_wait3A_53] : memref<256x64xi32, #tpu.memory_space<vmem>> -> memref<128x64xi32, #tpu.memory_space<vmem>>
    %dma_wait3A_55 = arith.constant 0 : i32
    %dma_wait3A_56 = tpu.memref_slice %arg8[%dma_wait3A_51, %dma_wait3A_55] : memref<2x128xi32, #tpu.memory_space<vmem>> -> memref<1x128xi32, #tpu.memory_space<vmem>>
    %dma_wait3A_57 = tpu.memref_squeeze %dma_wait3A_56 : memref<1x128xi32, #tpu.memory_space<vmem>> -> memref<128xi32, #tpu.memory_space<vmem>>
    %dma_wait3A_58 = arith.constant 0 : i32
    %dma_wait3A_59 = arith.constant 0 : i32
    %dma_wait3A_60 = tpu.memref_slice %arg4[%dma_wait3A_58, %dma_wait3A_59] : memref<1000x64xi32, #tpu.memory_space<hbm>> -> memref<1000x64xi32, #tpu.memory_space<hbm>>
    tpu.wait_indirect_dma semaphore(%arg12 : memref<!tpu.dma_semaphore, #tpu.memory_space<semaphore_mem>>) src(%dma_wait3A_60 : memref<1000x64xi32, #tpu.memory_space<hbm>>) dst(%dma_wait3A_54 : memref<128x64xi32, #tpu.memory_space<vmem>>)
    %dma_start3A_61 = arith.constant 0 : i32
    %dma_start3A_62 = tpu.memref_slice %arg6[%mul3A_2, %dma_start3A_61] : memref<8192x64xi32, #tpu.memory_space<hbm>> -> memref<256x64xi32, #tpu.memory_space<hbm>>
    %dma_start3A_63 = arith.constant 0 : i32
    %dma_start3A_64 = tpu.memref_slice %arg6[%mul3A_2, %dma_start3A_63] : memref<8192x64xi32, #tpu.memory_space<hbm>> -> memref<256x64xi32, #tpu.memory_space<hbm>>
    tpu.enqueue_dma source(%arg10 : memref<256x64xi32, #tpu.memory_space<vmem>>) target(%dma_start3A_64 : memref<256x64xi32, #tpu.memory_space<hbm>>) target_semaphore(%arg13 : memref<!tpu.dma_semaphore, #tpu.memory_space<semaphore_mem>>)
    %dma_wait3A_65 = arith.constant 0 : i32
    %dma_wait3A_66 = arith.constant 0 : i32
    %dma_wait3A_67 = arith.constant 0 : i32
    %dma_wait3A_68 = tpu.memref_slice %arg11[%dma_wait3A_66, %dma_wait3A_67] : memref<256x64xi32, #tpu.memory_space<vmem>> -> memref<128x64xi32, #tpu.memory_space<vmem>>
    %dma_wait3A_69 = arith.constant 0 : i32
    %dma_wait3A_70 = tpu.memref_slice %arg9[%dma_wait3A_65, %dma_wait3A_69] : memref<2x128xi32, #tpu.memory_space<vmem>> -> memref<1x128xi32, #tpu.memory_space<vmem>>
    %dma_wait3A_71 = tpu.memref_squeeze %dma_wait3A_70 : memref<1x128xi32, #tpu.memory_space<vmem>> -> memref<128xi32, #tpu.memory_space<vmem>>
    %dma_wait3A_72 = arith.constant 0 : i32
    %dma_wait3A_73 = arith.constant 0 : i32
    %dma_wait3A_74 = tpu.memref_slice %arg5[%dma_wait3A_72, %dma_wait3A_73] : memref<1000x64xi32, #tpu.memory_space<hbm>> -> memref<1000x64xi32, #tpu.memory_space<hbm>>
    tpu.wait_indirect_dma semaphore(%arg12 : memref<!tpu.dma_semaphore, #tpu.memory_space<semaphore_mem>>) src(%dma_wait3A_74 : memref<1000x64xi32, #tpu.memory_space<hbm>>) dst(%dma_wait3A_68 : memref<128x64xi32, #tpu.memory_space<vmem>>)
    %dma_wait3A_75 = arith.constant 1 : i32
    %dma_wait3A_76 = arith.constant 128 : i32
    %dma_wait3A_77 = arith.constant 0 : i32
    %dma_wait3A_78 = tpu.memref_slice %arg11[%dma_wait3A_76, %dma_wait3A_77] : memref<256x64xi32, #tpu.memory_space<vmem>> -> memref<128x64xi32, #tpu.memory_space<vmem>>
    %dma_wait3A_79 = arith.constant 0 : i32
    %dma_wait3A_80 = tpu.memref_slice %arg9[%dma_wait3A_75, %dma_wait3A_79] : memref<2x128xi32, #tpu.memory_space<vmem>> -> memref<1x128xi32, #tpu.memory_space<vmem>>
    %dma_wait3A_81 = tpu.memref_squeeze %dma_wait3A_80 : memref<1x128xi32, #tpu.memory_space<vmem>> -> memref<128xi32, #tpu.memory_space<vmem>>
    %dma_wait3A_82 = arith.constant 0 : i32
    %dma_wait3A_83 = arith.constant 0 : i32
    %dma_wait3A_84 = tpu.memref_slice %arg5[%dma_wait3A_82, %dma_wait3A_83] : memref<1000x64xi32, #tpu.memory_space<hbm>> -> memref<1000x64xi32, #tpu.memory_space<hbm>>
    tpu.wait_indirect_dma semaphore(%arg12 : memref<!tpu.dma_semaphore, #tpu.memory_space<semaphore_mem>>) src(%dma_wait3A_84 : memref<1000x64xi32, #tpu.memory_space<hbm>>) dst(%dma_wait3A_78 : memref<128x64xi32, #tpu.memory_space<vmem>>)
    %dma_start3A_85 = arith.constant 0 : i32
    %dma_start3A_86 = tpu.memref_slice %arg7[%mul3A_2, %dma_start3A_85] : memref<8192x64xi32, #tpu.memory_space<hbm>> -> memref<256x64xi32, #tpu.memory_space<hbm>>
    %dma_start3A_87 = arith.constant 0 : i32
    %dma_start3A_88 = tpu.memref_slice %arg7[%mul3A_2, %dma_start3A_87] : memref<8192x64xi32, #tpu.memory_space<hbm>> -> memref<256x64xi32, #tpu.memory_space<hbm>>
    tpu.enqueue_dma source(%arg11 : memref<256x64xi32, #tpu.memory_space<vmem>>) target(%dma_start3A_88 : memref<256x64xi32, #tpu.memory_space<hbm>>) target_semaphore(%arg13 : memref<!tpu.dma_semaphore, #tpu.memory_space<semaphore_mem>>)
    %dma_wait3A_89 = arith.constant 0 : i32
    %dma_wait3A_90 = tpu.memref_slice %arg6[%mul3A_2, %dma_wait3A_89] : memref<8192x64xi32, #tpu.memory_space<hbm>> -> memref<256x64xi32, #tpu.memory_space<hbm>>
    %dma_wait3A_91 = arith.constant 0 : i32
    %dma_wait3A_92 = tpu.memref_slice %arg6[%mul3A_2, %dma_wait3A_91] : memref<8192x64xi32, #tpu.memory_space<hbm>> -> memref<256x64xi32, #tpu.memory_space<hbm>>
    tpu.wait_dma2 semaphore(%arg13 : memref<!tpu.dma_semaphore, #tpu.memory_space<semaphore_mem>>) src(%arg10 : memref<256x64xi32, #tpu.memory_space<vmem>>) dst(%dma_wait3A_92 : memref<256x64xi32, #tpu.memory_space<hbm>>)
    %dma_wait3A_93 = arith.constant 0 : i32
    %dma_wait3A_94 = tpu.memref_slice %arg7[%mul3A_2, %dma_wait3A_93] : memref<8192x64xi32, #tpu.memory_space<hbm>> -> memref<256x64xi32, #tpu.memory_space<hbm>>
    %dma_wait3A_95 = arith.constant 0 : i32
    %dma_wait3A_96 = tpu.memref_slice %arg7[%mul3A_2, %dma_wait3A_95] : memref<8192x64xi32, #tpu.memory_space<hbm>> -> memref<256x64xi32, #tpu.memory_space<hbm>>
    tpu.wait_dma2 semaphore(%arg13 : memref<!tpu.dma_semaphore, #tpu.memory_space<semaphore_mem>>) src(%arg11 : memref<256x64xi32, #tpu.memory_space<vmem>>) dst(%dma_wait3A_96 : memref<256x64xi32, #tpu.memory_space<hbm>>)
    return
  }
}

module attributes {stable_mosaic.version = 14 : i64} {
  func.func @body(%arg0: i32, %arg1: memref<1024x128xi32, #tpu.memory_space<vmem>>, %arg2: memref<1024x128xi32, #tpu.memory_space<vmem>>, %arg3: memref<128x128xf32, #tpu.memory_space<vmem>>, %arg4: memref<128x128xf32, #tpu.memory_space<vmem>>, %arg5: memref<1x128xf32, #tpu.memory_space<vmem>>, %arg6: memref<128x128xf32, #tpu.memory_space<vmem>>, %arg7: memref<1x128xf32, #tpu.memory_space<vmem>>, %arg8: memref<1x128xf32, #tpu.memory_space<vmem>>, %arg9: memref<1x1xf32, #tpu.memory_space<vmem>>, %arg10: memref<1x2048xf32, #tpu.memory_space<vmem>>) attributes {dimension_semantics = [#tpu.dimension_semantics<arbitrary>], iteration_bounds = array<i64: 4>, scalar_prefetch = 0 : i64, scratch_operands = 0 : i64, tpu.core_type = #tpu.core_type<tc>, window_params = [{transform_indices = @transform_0, window_bounds = array<i64: 1024, 128>}, {transform_indices = @transform_1, window_bounds = array<i64: 1024, 128>}, {pipeline_mode = #tpu.pipeline_mode<synchronous>, transform_indices = @transform_2, window_bounds = array<i64: 128, 128>}, {pipeline_mode = #tpu.pipeline_mode<synchronous>, transform_indices = @transform_3, window_bounds = array<i64: 128, 128>}, {pipeline_mode = #tpu.pipeline_mode<synchronous>, transform_indices = @transform_4, window_bounds = array<i64: 1, 128>}, {pipeline_mode = #tpu.pipeline_mode<synchronous>, transform_indices = @transform_5, window_bounds = array<i64: 128, 128>}, {pipeline_mode = #tpu.pipeline_mode<synchronous>, transform_indices = @transform_6, window_bounds = array<i64: 1, 128>}, {pipeline_mode = #tpu.pipeline_mode<synchronous>, transform_indices = @transform_7, window_bounds = array<i64: 1, 128>}, {pipeline_mode = #tpu.pipeline_mode<synchronous>, transform_indices = @transform_8, window_bounds = array<i64: 1, 1>}, {transform_indices = @transform_9, window_bounds = array<i64: 1, 2048>}]} {
    %get3A = arith.constant 0 : index
    %get3A_0 = arith.constant 0 : index
    %get3A_1 = vector.load %arg1[%get3A, %get3A_0] : memref<1024x128xi32, #tpu.memory_space<vmem>>, vector<1024x128xi32>
    %shift_left3A = arith.constant 16 : i32
    %shift_left3A_2 = vector.broadcast %shift_left3A : i32 to vector<1024x128xi32>
    %shift_left3A_3 = arith.shli %get3A_1, %shift_left3A_2 : vector<1024x128xi32>
    %bitcast_convert_type3A = tpu.bitcast %shift_left3A_3 : vector<1024x128xi32> -> vector<1024x128xf32>
    %and3A = arith.constant -65536 : i32
    %and3A_4 = vector.broadcast %and3A : i32 to vector<1024x128xi32>
    %and3A_5 = arith.andi %get3A_1, %and3A_4 : vector<1024x128xi32>
    %bitcast_convert_type3A_6 = tpu.bitcast %and3A_5 : vector<1024x128xi32> -> vector<1024x128xf32>
    %get3A_7 = arith.constant 0 : index
    %get3A_8 = arith.constant 0 : index
    %get3A_9 = vector.load %arg2[%get3A_7, %get3A_8] : memref<1024x128xi32, #tpu.memory_space<vmem>>, vector<1024x128xi32>
    %shift_left3A_10 = arith.constant 16 : i32
    %shift_left3A_11 = vector.broadcast %shift_left3A_10 : i32 to vector<1024x128xi32>
    %shift_left3A_12 = arith.shli %get3A_9, %shift_left3A_11 : vector<1024x128xi32>
    %bitcast_convert_type3A_13 = tpu.bitcast %shift_left3A_12 : vector<1024x128xi32> -> vector<1024x128xf32>
    %and3A_14 = arith.constant -65536 : i32
    %and3A_15 = vector.broadcast %and3A_14 : i32 to vector<1024x128xi32>
    %and3A_16 = arith.andi %get3A_9, %and3A_15 : vector<1024x128xi32>
    %bitcast_convert_type3A_17 = tpu.bitcast %and3A_16 : vector<1024x128xi32> -> vector<1024x128xf32>
    %slice3A = vector.extract_strided_slice %bitcast_convert_type3A {offsets = [0, 0], sizes = [1024, 64], strides = [1, 1]} : vector<1024x128xf32> to vector<1024x64xf32>
    %slice3A_18 = vector.extract_strided_slice %bitcast_convert_type3A_6 {offsets = [0, 0], sizes = [1024, 64], strides = [1, 1]} : vector<1024x128xf32> to vector<1024x64xf32>
    %concatenate3A = tpu.concatenate %slice3A, %slice3A_18 in 1 : vector<1024x64xf32>, vector<1024x64xf32> -> vector<1024x128xf32>
    %slice3A_19 = vector.extract_strided_slice %bitcast_convert_type3A_13 {offsets = [0, 0], sizes = [1024, 64], strides = [1, 1]} : vector<1024x128xf32> to vector<1024x64xf32>
    %slice3A_20 = vector.extract_strided_slice %bitcast_convert_type3A_17 {offsets = [0, 0], sizes = [1024, 64], strides = [1, 1]} : vector<1024x128xf32> to vector<1024x64xf32>
    %concatenate3A_21 = tpu.concatenate %slice3A_19, %slice3A_20 in 1 : vector<1024x64xf32>, vector<1024x64xf32> -> vector<1024x128xf32>
    %mul3A = arith.mulf %concatenate3A, %concatenate3A : vector<1024x128xf32>
    %reduce_sum3A = arith.constant dense<0.000000e+00> : vector<1024xf32>
    %reduce_sum3A_22 = vector.multi_reduction <add>, %mul3A, %reduce_sum3A [1] : vector<1024x128xf32> to vector<1024xf32>
    %broadcast_in_dim3A = vector.shape_cast %reduce_sum3A_22 : vector<1024xf32> to vector<1024x1xf32>
    %max3A = arith.constant 1.000000e-24 : f32
    %max3A_23 = vector.broadcast %max3A : f32 to vector<1024x1xf32>
    %max3A_24 = arith.maximumf %broadcast_in_dim3A, %max3A_23 : vector<1024x1xf32>
    %rsqrt3A = math.rsqrt %max3A_24 : vector<1024x1xf32>
    %get3A_25 = arith.constant 0 : index
    %get3A_26 = arith.constant 0 : index
    %get3A_27 = vector.load %arg3[%get3A_25, %get3A_26] : memref<128x128xf32, #tpu.memory_space<vmem>>, vector<128x128xf32>
    %dot_general3A = arith.constant dense<0.000000e+00> : vector<1024x128xf32>
    %dot_general3A_28 = tpu.matmul %concatenate3A, %get3A_27, %dot_general3A {dimension_numbers = #tpu.dot_dimension_numbers<[1], [0], [0], [1], [0, 0, 1, 1], [], []>, transpose_lhs_hint = false} : vector<1024x128xf32>, vector<128x128xf32>, vector<1024x128xf32> -> vector<1024x128xf32>
    %mul3A_29 = vector.broadcast %rsqrt3A : vector<1024x1xf32> to vector<1024x128xf32>
    %mul3A_30 = arith.mulf %mul3A_29, %dot_general3A_28 : vector<1024x128xf32>
    %mul3A_31 = arith.mulf %concatenate3A_21, %concatenate3A_21 : vector<1024x128xf32>
    %reduce_sum3A_32 = arith.constant dense<0.000000e+00> : vector<1024xf32>
    %reduce_sum3A_33 = vector.multi_reduction <add>, %mul3A_31, %reduce_sum3A_32 [1] : vector<1024x128xf32> to vector<1024xf32>
    %broadcast_in_dim3A_34 = vector.shape_cast %reduce_sum3A_33 : vector<1024xf32> to vector<1024x1xf32>
    %max3A_35 = arith.constant 1.000000e-24 : f32
    %max3A_36 = vector.broadcast %max3A_35 : f32 to vector<1024x1xf32>
    %max3A_37 = arith.maximumf %broadcast_in_dim3A_34, %max3A_36 : vector<1024x1xf32>
    %rsqrt3A_38 = math.rsqrt %max3A_37 : vector<1024x1xf32>
    %get3A_39 = arith.constant 0 : index
    %get3A_40 = arith.constant 0 : index
    %get3A_41 = vector.load %arg4[%get3A_39, %get3A_40] : memref<128x128xf32, #tpu.memory_space<vmem>>, vector<128x128xf32>
    %dot_general3A_42 = arith.constant dense<0.000000e+00> : vector<1024x128xf32>
    %dot_general3A_43 = tpu.matmul %concatenate3A_21, %get3A_41, %dot_general3A_42 {dimension_numbers = #tpu.dot_dimension_numbers<[1], [0], [0], [1], [0, 0, 1, 1], [], []>, transpose_lhs_hint = false} : vector<1024x128xf32>, vector<128x128xf32>, vector<1024x128xf32> -> vector<1024x128xf32>
    %mul3A_44 = vector.broadcast %rsqrt3A_38 : vector<1024x1xf32> to vector<1024x128xf32>
    %mul3A_45 = arith.mulf %mul3A_44, %dot_general3A_43 : vector<1024x128xf32>
    %add3A = arith.addf %mul3A_30, %mul3A_45 : vector<1024x128xf32>
    %get3A_46 = arith.constant 0 : index
    %get3A_47 = arith.constant 0 : index
    %get3A_48 = vector.load %arg5[%get3A_46, %get3A_47] : memref<1x128xf32, #tpu.memory_space<vmem>>, vector<1x128xf32>
    %add3A_49 = vector.broadcast %get3A_48 : vector<1x128xf32> to vector<1024x128xf32>
    %add3A_50 = arith.addf %add3A, %add3A_49 : vector<1024x128xf32>
    %max3A_51 = arith.constant 0.000000e+00 : f32
    %max3A_52 = vector.broadcast %max3A_51 : f32 to vector<1024x128xf32>
    %max3A_53 = arith.maximumf %add3A_50, %max3A_52 : vector<1024x128xf32>
    %get3A_54 = arith.constant 0 : index
    %get3A_55 = arith.constant 0 : index
    %get3A_56 = vector.load %arg6[%get3A_54, %get3A_55] : memref<128x128xf32, #tpu.memory_space<vmem>>, vector<128x128xf32>
    %dot_general3A_57 = arith.constant dense<0.000000e+00> : vector<1024x128xf32>
    %dot_general3A_58 = tpu.matmul %max3A_53, %get3A_56, %dot_general3A_57 {dimension_numbers = #tpu.dot_dimension_numbers<[1], [0], [0], [1], [0, 0, 1, 1], [], []>, transpose_lhs_hint = false} : vector<1024x128xf32>, vector<128x128xf32>, vector<1024x128xf32> -> vector<1024x128xf32>
    %get3A_59 = arith.constant 0 : index
    %get3A_60 = arith.constant 0 : index
    %get3A_61 = vector.load %arg7[%get3A_59, %get3A_60] : memref<1x128xf32, #tpu.memory_space<vmem>>, vector<1x128xf32>
    %add3A_62 = vector.broadcast %get3A_61 : vector<1x128xf32> to vector<1024x128xf32>
    %add3A_63 = arith.addf %dot_general3A_58, %add3A_62 : vector<1024x128xf32>
    %max3A_64 = arith.constant 0.000000e+00 : f32
    %max3A_65 = vector.broadcast %max3A_64 : f32 to vector<1024x128xf32>
    %max3A_66 = arith.maximumf %add3A_63, %max3A_65 : vector<1024x128xf32>
    %get3A_67 = arith.constant 0 : index
    %get3A_68 = arith.constant 0 : index
    %get3A_69 = vector.load %arg8[%get3A_67, %get3A_68] : memref<1x128xf32, #tpu.memory_space<vmem>>, vector<1x128xf32>
    %dot_general3A_70 = arith.constant dense<0.000000e+00> : vector<1x1024xf32>
    %dot_general3A_71 = tpu.matmul %get3A_69, %max3A_66, %dot_general3A_70 {dimension_numbers = #tpu.dot_dimension_numbers<[1], [1], [0], [0], [0, 0, 1, 0], [], []>, transpose_lhs_hint = false} : vector<1x128xf32>, vector<1024x128xf32>, vector<1x1024xf32> -> vector<1x1024xf32>
    %slice3A_72 = vector.extract_strided_slice %bitcast_convert_type3A {offsets = [0, 64], sizes = [1024, 64], strides = [1, 1]} : vector<1024x128xf32> to vector<1024x64xf32>
    %slice3A_73 = vector.extract_strided_slice %bitcast_convert_type3A_6 {offsets = [0, 64], sizes = [1024, 64], strides = [1, 1]} : vector<1024x128xf32> to vector<1024x64xf32>
    %concatenate3A_74 = tpu.concatenate %slice3A_72, %slice3A_73 in 1 : vector<1024x64xf32>, vector<1024x64xf32> -> vector<1024x128xf32>
    %slice3A_75 = vector.extract_strided_slice %bitcast_convert_type3A_13 {offsets = [0, 64], sizes = [1024, 64], strides = [1, 1]} : vector<1024x128xf32> to vector<1024x64xf32>
    %slice3A_76 = vector.extract_strided_slice %bitcast_convert_type3A_17 {offsets = [0, 64], sizes = [1024, 64], strides = [1, 1]} : vector<1024x128xf32> to vector<1024x64xf32>
    %concatenate3A_77 = tpu.concatenate %slice3A_75, %slice3A_76 in 1 : vector<1024x64xf32>, vector<1024x64xf32> -> vector<1024x128xf32>
    %mul3A_78 = arith.mulf %concatenate3A_74, %concatenate3A_74 : vector<1024x128xf32>
    %reduce_sum3A_79 = arith.constant dense<0.000000e+00> : vector<1024xf32>
    %reduce_sum3A_80 = vector.multi_reduction <add>, %mul3A_78, %reduce_sum3A_79 [1] : vector<1024x128xf32> to vector<1024xf32>
    %broadcast_in_dim3A_81 = vector.shape_cast %reduce_sum3A_80 : vector<1024xf32> to vector<1024x1xf32>
    %max3A_82 = arith.constant 1.000000e-24 : f32
    %max3A_83 = vector.broadcast %max3A_82 : f32 to vector<1024x1xf32>
    %max3A_84 = arith.maximumf %broadcast_in_dim3A_81, %max3A_83 : vector<1024x1xf32>
    %rsqrt3A_85 = math.rsqrt %max3A_84 : vector<1024x1xf32>
    %get3A_86 = arith.constant 0 : index
    %get3A_87 = arith.constant 0 : index
    %get3A_88 = vector.load %arg3[%get3A_86, %get3A_87] : memref<128x128xf32, #tpu.memory_space<vmem>>, vector<128x128xf32>
    %dot_general3A_89 = arith.constant dense<0.000000e+00> : vector<1024x128xf32>
    %dot_general3A_90 = tpu.matmul %concatenate3A_74, %get3A_88, %dot_general3A_89 {dimension_numbers = #tpu.dot_dimension_numbers<[1], [0], [0], [1], [0, 0, 1, 1], [], []>, transpose_lhs_hint = false} : vector<1024x128xf32>, vector<128x128xf32>, vector<1024x128xf32> -> vector<1024x128xf32>
    %mul3A_91 = vector.broadcast %rsqrt3A_85 : vector<1024x1xf32> to vector<1024x128xf32>
    %mul3A_92 = arith.mulf %mul3A_91, %dot_general3A_90 : vector<1024x128xf32>
    %mul3A_93 = arith.mulf %concatenate3A_77, %concatenate3A_77 : vector<1024x128xf32>
    %reduce_sum3A_94 = arith.constant dense<0.000000e+00> : vector<1024xf32>
    %reduce_sum3A_95 = vector.multi_reduction <add>, %mul3A_93, %reduce_sum3A_94 [1] : vector<1024x128xf32> to vector<1024xf32>
    %broadcast_in_dim3A_96 = vector.shape_cast %reduce_sum3A_95 : vector<1024xf32> to vector<1024x1xf32>
    %max3A_97 = arith.constant 1.000000e-24 : f32
    %max3A_98 = vector.broadcast %max3A_97 : f32 to vector<1024x1xf32>
    %max3A_99 = arith.maximumf %broadcast_in_dim3A_96, %max3A_98 : vector<1024x1xf32>
    %rsqrt3A_100 = math.rsqrt %max3A_99 : vector<1024x1xf32>
    %get3A_101 = arith.constant 0 : index
    %get3A_102 = arith.constant 0 : index
    %get3A_103 = vector.load %arg4[%get3A_101, %get3A_102] : memref<128x128xf32, #tpu.memory_space<vmem>>, vector<128x128xf32>
    %dot_general3A_104 = arith.constant dense<0.000000e+00> : vector<1024x128xf32>
    %dot_general3A_105 = tpu.matmul %concatenate3A_77, %get3A_103, %dot_general3A_104 {dimension_numbers = #tpu.dot_dimension_numbers<[1], [0], [0], [1], [0, 0, 1, 1], [], []>, transpose_lhs_hint = false} : vector<1024x128xf32>, vector<128x128xf32>, vector<1024x128xf32> -> vector<1024x128xf32>
    %mul3A_106 = vector.broadcast %rsqrt3A_100 : vector<1024x1xf32> to vector<1024x128xf32>
    %mul3A_107 = arith.mulf %mul3A_106, %dot_general3A_105 : vector<1024x128xf32>
    %add3A_108 = arith.addf %mul3A_92, %mul3A_107 : vector<1024x128xf32>
    %get3A_109 = arith.constant 0 : index
    %get3A_110 = arith.constant 0 : index
    %get3A_111 = vector.load %arg5[%get3A_109, %get3A_110] : memref<1x128xf32, #tpu.memory_space<vmem>>, vector<1x128xf32>
    %add3A_112 = vector.broadcast %get3A_111 : vector<1x128xf32> to vector<1024x128xf32>
    %add3A_113 = arith.addf %add3A_108, %add3A_112 : vector<1024x128xf32>
    %max3A_114 = arith.constant 0.000000e+00 : f32
    %max3A_115 = vector.broadcast %max3A_114 : f32 to vector<1024x128xf32>
    %max3A_116 = arith.maximumf %add3A_113, %max3A_115 : vector<1024x128xf32>
    %get3A_117 = arith.constant 0 : index
    %get3A_118 = arith.constant 0 : index
    %get3A_119 = vector.load %arg6[%get3A_117, %get3A_118] : memref<128x128xf32, #tpu.memory_space<vmem>>, vector<128x128xf32>
    %dot_general3A_120 = arith.constant dense<0.000000e+00> : vector<1024x128xf32>
    %dot_general3A_121 = tpu.matmul %max3A_116, %get3A_119, %dot_general3A_120 {dimension_numbers = #tpu.dot_dimension_numbers<[1], [0], [0], [1], [0, 0, 1, 1], [], []>, transpose_lhs_hint = false} : vector<1024x128xf32>, vector<128x128xf32>, vector<1024x128xf32> -> vector<1024x128xf32>
    %get3A_122 = arith.constant 0 : index
    %get3A_123 = arith.constant 0 : index
    %get3A_124 = vector.load %arg7[%get3A_122, %get3A_123] : memref<1x128xf32, #tpu.memory_space<vmem>>, vector<1x128xf32>
    %add3A_125 = vector.broadcast %get3A_124 : vector<1x128xf32> to vector<1024x128xf32>
    %add3A_126 = arith.addf %dot_general3A_121, %add3A_125 : vector<1024x128xf32>
    %max3A_127 = arith.constant 0.000000e+00 : f32
    %max3A_128 = vector.broadcast %max3A_127 : f32 to vector<1024x128xf32>
    %max3A_129 = arith.maximumf %add3A_126, %max3A_128 : vector<1024x128xf32>
    %get3A_130 = arith.constant 0 : index
    %get3A_131 = arith.constant 0 : index
    %get3A_132 = vector.load %arg8[%get3A_130, %get3A_131] : memref<1x128xf32, #tpu.memory_space<vmem>>, vector<1x128xf32>
    %dot_general3A_133 = arith.constant dense<0.000000e+00> : vector<1x1024xf32>
    %dot_general3A_134 = tpu.matmul %get3A_132, %max3A_129, %dot_general3A_133 {dimension_numbers = #tpu.dot_dimension_numbers<[1], [1], [0], [0], [0, 0, 1, 0], [], []>, transpose_lhs_hint = false} : vector<1x128xf32>, vector<1024x128xf32>, vector<1x1024xf32> -> vector<1x1024xf32>
    %slice3A_135 = vector.extract_strided_slice %dot_general3A_71 {offsets = [0, 0], sizes = [1, 128], strides = [1, 1]} : vector<1x1024xf32> to vector<1x128xf32>
    %slice3A_136 = vector.extract_strided_slice %dot_general3A_134 {offsets = [0, 0], sizes = [1, 128], strides = [1, 1]} : vector<1x1024xf32> to vector<1x128xf32>
    %slice3A_137 = vector.extract_strided_slice %dot_general3A_71 {offsets = [0, 128], sizes = [1, 128], strides = [1, 1]} : vector<1x1024xf32> to vector<1x128xf32>
    %slice3A_138 = vector.extract_strided_slice %dot_general3A_134 {offsets = [0, 128], sizes = [1, 128], strides = [1, 1]} : vector<1x1024xf32> to vector<1x128xf32>
    %slice3A_139 = vector.extract_strided_slice %dot_general3A_71 {offsets = [0, 256], sizes = [1, 128], strides = [1, 1]} : vector<1x1024xf32> to vector<1x128xf32>
    %slice3A_140 = vector.extract_strided_slice %dot_general3A_134 {offsets = [0, 256], sizes = [1, 128], strides = [1, 1]} : vector<1x1024xf32> to vector<1x128xf32>
    %slice3A_141 = vector.extract_strided_slice %dot_general3A_71 {offsets = [0, 384], sizes = [1, 128], strides = [1, 1]} : vector<1x1024xf32> to vector<1x128xf32>
    %slice3A_142 = vector.extract_strided_slice %dot_general3A_134 {offsets = [0, 384], sizes = [1, 128], strides = [1, 1]} : vector<1x1024xf32> to vector<1x128xf32>
    %slice3A_143 = vector.extract_strided_slice %dot_general3A_71 {offsets = [0, 512], sizes = [1, 128], strides = [1, 1]} : vector<1x1024xf32> to vector<1x128xf32>
    %slice3A_144 = vector.extract_strided_slice %dot_general3A_134 {offsets = [0, 512], sizes = [1, 128], strides = [1, 1]} : vector<1x1024xf32> to vector<1x128xf32>
    %slice3A_145 = vector.extract_strided_slice %dot_general3A_71 {offsets = [0, 640], sizes = [1, 128], strides = [1, 1]} : vector<1x1024xf32> to vector<1x128xf32>
    %slice3A_146 = vector.extract_strided_slice %dot_general3A_134 {offsets = [0, 640], sizes = [1, 128], strides = [1, 1]} : vector<1x1024xf32> to vector<1x128xf32>
    %slice3A_147 = vector.extract_strided_slice %dot_general3A_71 {offsets = [0, 768], sizes = [1, 128], strides = [1, 1]} : vector<1x1024xf32> to vector<1x128xf32>
    %slice3A_148 = vector.extract_strided_slice %dot_general3A_134 {offsets = [0, 768], sizes = [1, 128], strides = [1, 1]} : vector<1x1024xf32> to vector<1x128xf32>
    %slice3A_149 = vector.extract_strided_slice %dot_general3A_71 {offsets = [0, 896], sizes = [1, 128], strides = [1, 1]} : vector<1x1024xf32> to vector<1x128xf32>
    %slice3A_150 = vector.extract_strided_slice %dot_general3A_134 {offsets = [0, 896], sizes = [1, 128], strides = [1, 1]} : vector<1x1024xf32> to vector<1x128xf32>
    %concatenate3A_151 = tpu.concatenate %slice3A_135, %slice3A_136, %slice3A_137, %slice3A_138, %slice3A_139, %slice3A_140, %slice3A_141, %slice3A_142, %slice3A_143, %slice3A_144, %slice3A_145, %slice3A_146, %slice3A_147, %slice3A_148, %slice3A_149, %slice3A_150 in 1 : vector<1x128xf32>, vector<1x128xf32>, vector<1x128xf32>, vector<1x128xf32>, vector<1x128xf32>, vector<1x128xf32>, vector<1x128xf32>, vector<1x128xf32>, vector<1x128xf32>, vector<1x128xf32>, vector<1x128xf32>, vector<1x128xf32>, vector<1x128xf32>, vector<1x128xf32>, vector<1x128xf32>, vector<1x128xf32> -> vector<1x2048xf32>
    %get3A_152 = arith.constant 0 : index
    %get3A_153 = arith.constant 0 : index
    %get3A_154 = vector.load %arg9[%get3A_152, %get3A_153] : memref<1x1xf32, #tpu.memory_space<vmem>>, vector<1x1xf32>
    %add3A_155 = vector.broadcast %get3A_154 : vector<1x1xf32> to vector<1x2048xf32>
    %add3A_156 = arith.addf %concatenate3A_151, %add3A_155 : vector<1x2048xf32>
    %swap3A = arith.constant 0 : index
    %swap3A_157 = arith.constant 0 : index
    %swap3A_158 = vector.load %arg10[%swap3A, %swap3A_157] : memref<1x2048xf32, #tpu.memory_space<vmem>>, vector<1x2048xf32>
    tpu.vector_store %arg10[%swap3A, %swap3A_157], %add3A_156 {strides = array<i32>} : memref<1x2048xf32, #tpu.memory_space<vmem>>, vector<1x2048xf32>,
    return
  }
  func.func @transform_0(%arg0: i32) -> (i32, i32) {
    %c0_i32 = arith.constant 0 : i32
    %c0_i32_0 = arith.constant 0 : i32
    return %arg0, %c0_i32 : i32, i32
  }
  func.func @transform_1(%arg0: i32) -> (i32, i32) {
    %c0_i32 = arith.constant 0 : i32
    %c0_i32_0 = arith.constant 0 : i32
    return %arg0, %c0_i32 : i32, i32
  }
  func.func @transform_2(%arg0: i32) -> (i32, i32) {
    %c0_i32 = arith.constant 0 : i32
    %c0_i32_0 = arith.constant 0 : i32
    %c0_i32_1 = arith.constant 0 : i32
    return %c0_i32, %c0_i32_0 : i32, i32
  }
  func.func @transform_3(%arg0: i32) -> (i32, i32) {
    %c0_i32 = arith.constant 0 : i32
    %c0_i32_0 = arith.constant 0 : i32
    %c0_i32_1 = arith.constant 0 : i32
    return %c0_i32, %c0_i32_0 : i32, i32
  }
  func.func @transform_4(%arg0: i32) -> (i32, i32) {
    %c0_i32 = arith.constant 0 : i32
    %c0_i32_0 = arith.constant 0 : i32
    %c0_i32_1 = arith.constant 0 : i32
    return %c0_i32, %c0_i32_0 : i32, i32
  }
  func.func @transform_5(%arg0: i32) -> (i32, i32) {
    %c0_i32 = arith.constant 0 : i32
    %c0_i32_0 = arith.constant 0 : i32
    %c0_i32_1 = arith.constant 0 : i32
    return %c0_i32, %c0_i32_0 : i32, i32
  }
  func.func @transform_6(%arg0: i32) -> (i32, i32) {
    %c0_i32 = arith.constant 0 : i32
    %c0_i32_0 = arith.constant 0 : i32
    %c0_i32_1 = arith.constant 0 : i32
    return %c0_i32, %c0_i32_0 : i32, i32
  }
  func.func @transform_7(%arg0: i32) -> (i32, i32) {
    %c0_i32 = arith.constant 0 : i32
    %c0_i32_0 = arith.constant 0 : i32
    %c0_i32_1 = arith.constant 0 : i32
    return %c0_i32, %c0_i32_0 : i32, i32
  }
  func.func @transform_8(%arg0: i32) -> (i32, i32) {
    %c0_i32 = arith.constant 0 : i32
    %c0_i32_0 = arith.constant 0 : i32
    %c0_i32_1 = arith.constant 0 : i32
    return %c0_i32, %c0_i32_0 : i32, i32
  }
  func.func @transform_9(%arg0: i32) -> (i32, i32) {
    %c0_i32 = arith.constant 0 : i32
    %c0_i32_0 = arith.constant 0 : i32
    return %c0_i32, %arg0 : i32, i32
  }
}

</mosaic_0001>

<sc_bundles>
// kernel: kernel.6.cloned.1.call-start
scs
__scs_entry_jumppad:
0x0: {  	(pc) =	sbr.rel $0x88, $3  }
0x1: {  	(tag) =	ssettag $0x0;
	lr =	simm.s32 $0x1  }
0x2: {  	[smem:$0x3F98] =	sst lr;
	_ =	strace $0xD0000000  }
0x3: {  	_ = 	snop  }
0x4: {  	_ = 	snop  }
0x5: {  	_ = 	snop  }
0x6: {  	_ = 	snop  }
0x7: {  	_ = 	snop  }
__scs_overlays_trampoline_lowered:
0x8: {  	[smem:$0x3FA7] =	sst s0  }
0x9: {  	[smem:$0x3FA8] =	sst s1  }
0xa: {  	[smem:$0x3FA9] =	sst s2  }
0xb: {  	[smem:$0x3FAA] =	sst s3  }
0xc: {  	[smem:$0x3FAB] =	sst s4  }
0xd: {  	[smem:$0x3FAC] =	sst s5  }
0xe: {  	[smem:$0x3FAD] =	sst s6  }
0xf: {  	[smem:$0x3FAE] =	sst s7  }
0x10: {  	[smem:$0x3FAF] =	sst s8  }
0x11: {  	[smem:$0x3FB0] =	sst s9;
	s0 =	simm.s32 @!p0 $0x0  }
0x12: {  	s1 =	sld [smem:$0x3F96];
	s0 =	simm.s32 @p0 $0x1  }
0x13: {  	[smem:$0x3FB1] =	sst s0;
	s0 =	simm.s32 @!p1 $0x0  }
0x14: {  	s2 =	sld [smem:$0x3F95];
	s0 =	simm.s32 @p1 $0x1  }
0x15: {  	[smem:$0x3FB2] =	sst s0;
	s0 =	simm.s32 @!p2 $0x0  }
0x16: {  	s3 =	sld [smem:$0x3FDB];
	s0 =	simm.s32 @p2 $0x1  }
0x17: {  	s4 =	simm.s32 $0x1BF5;
	[smem:$0x3FB4] =	sst s0  }
0x18: {  	s0 =	sld [smem:$0x3F97];
	_ =	swait.ge [sflag:s4], $0x0  }
0x19: {  	s7 =	sld [smem:$0x3F98]  }
0x1a: {  	s8 =	sadd.s32 $0xFFFFE003, lr  }
0x1b: {  	s9 =	sadd.s32 $0xFFFFFEF7, lr;
	s5 =	simm.s32 $0xFFFFFFFF;
	p2 =	slt.u32 s8, $0xFFFFF086  }
0x1c: {  	p1 =	slt.u32 s9, $0xF7A;
	s5 =	simm.s32 @!p2 $0x0  }
0x1d: {  	s5 =	simm.s32 @p1 $0x1;
	p0 =	seq.s32 s7, s2  }
0x1e: {  	s7 =	smul.u32 @!p0 $0xF7A, s2;
	p2 =	seq.s32 @!p0 s5, $0x0  }
0x1f: {  	s9 =	smul.u32 $0xF7A, s1;
	s8 =	simm.s32 @!p0 $0x1BF5;
	p2 =	por !p2, p0  }
0x20: {  	[sflag:s8] =	ssyncset.s32 @!p0 $0xFFFFF086;
	s6 =	sadd.s32 @!p0 s3, s7;
	s7 =	simm.s32 @!p0 $0x108  }
0x21: {  	s3 =	sadd.s32 s3, s9;
	s6 =	sadd.s32 @!p0 $0x88, s6;
	s7 =	simm.s32 @p2 $0x1082  }
0x22: {  	[simem:s7], [sflag:s8] =	dma.local @!p0 [hbm:s6], $0xF7A  }
0x23: {  	s9 =	sor.u32 $0xD0000000, s2;
	s6 =	simm.s32 $0x108;
	_ =	swait.ge @!p0 [sflag:s8], $0x0  }
0x24: {  	s3 =	sadd.s32 $0x88, s3;
	s6 =	simm.s32 @!p1 $0x1082;
	[sflag:s4] =	ssyncset.s32 $0xFFFFF086  }
0x25: {  	[simem:s6], [sflag:s4] =	dma.local [hbm:s3], $0xF7A  }
0x26: {  	[smem:$0x3F98] =	sst s1;
	(tag) =	ssettag s2;
	_ =	strace s9  }
0x27: {  	s1 =	sld [smem:$0x3FA8]  }
0x28: {  	s2 =	sld [smem:$0x3FA9]  }
0x29: {  	s4 =	sld [smem:$0x3FAB]  }
0x2a: {  	p0 =	seq.s32 s5, $0x0;
	s5 =	sld [smem:$0x3FAC]  }
0x2b: {  	s6 =	sld [smem:$0x3FAD]  }
0x2c: {  	s7 =	sld [smem:$0x3FAE]  }
0x2d: {  	s3 =	simm.s32 $0x108;
	s8 =	sld [smem:$0x3FAF]  }
0x2e: {  	s3 =	simm.s32 @!p0 $0x1082;
	s9 =	sld [smem:$0x3FB0]  }
0x2f: {  	lr =	sadd.s32 s0, s3;
	s0 =	sld [smem:$0x3FA7]  }
0x30: {  	s3 =	sld [smem:$0x3FAA]  }
0x31: {  	[smem:$0x3FB3] =	sst s10  }
0x32: {  	s10 =	sld [smem:$0x3FB1];
	_ =	sdelay $0x3  }
0x33: {  	p0 =	seq.s32 s10, $0x1;
	s10 =	sld [smem:$0x3FB3];
	_ =	sdelay $0x3  }
0x34: {  	[smem:$0x3FB3] =	sst s10  }
0x35: {  	s10 =	sld [smem:$0x3FB2];
	_ =	sdelay $0x3  }
0x36: {  	p1 =	seq.s32 s10, $0x1;
	s10 =	sld [smem:$0x3FB3];
	_ =	sdelay $0x3  }
0x37: {  	[smem:$0x3FB3] =	sst s10  }
0x38: {  	s10 =	sld [smem:$0x3FB4]  }
0x39: {  	_ = 	snop;
	(pc) =	sbr.ind lr, $3  }
0x3a: {  	_ = 	snop  }
0x3b: {  	_ = 	snop  }
0x3c: {  	p2 =	seq.s32 s10, $0x1;
	s10 =	sld [smem:$0x3FB3]  }
0x3d: {  	_ =	shalt  }
0x3e: {  	_ =	shalt  }
0x3f: {  	_ =	shalt  }
0x40: {  	_ =	shalt  }
0x41: {  	_ =	shalt  }
0x42: {  	_ =	shalt  }
0x43: {  	_ =	shalt  }
0x44: {  	_ =	shalt  }
0x45: {  	_ =	shalt  }
0x46: {  	_ =	shalt  }
0x47: {  	_ =	shalt  }
0x48: {  	_ =	shalt  }
0x49: {  	_ =	shalt  }
0x4a: {  	_ =	shalt  }
0x4b: {  	_ =	shalt  }
0x4c: {  	_ =	shalt  }
0x4d: {  	_ =	shalt  }
0x4e: {  	_ =	shalt  }
0x4f: {  	_ =	shalt  }
0x50: {  	_ =	shalt  }
0x51: {  	_ =	shalt  }
0x52: {  	_ =	shalt  }
0x53: {  	_ =	shalt  }
0x54: {  	_ =	shalt  }
0x55: {  	_ =	shalt  }
0x56: {  	_ =	shalt  }
0x57: {  	_ =	shalt  }
0x58: {  	_ =	shalt  }
0x59: {  	_ =	shalt  }
0x5a: {  	_ =	shalt  }
0x5b: {  	_ =	shalt  }
0x5c: {  	_ =	shalt  }
0x5d: {  	_ =	shalt  }
0x5e: {  	_ =	shalt  }
0x5f: {  	_ =	shalt  }
0x60: {  	_ =	shalt  }
0x61: {  	_ =	shalt  }
0x62: {  	_ =	shalt  }
0x63: {  	_ =	shalt  }
0x64: {  	_ =	shalt  }
0x65: {  	_ =	shalt  }
0x66: {  	_ =	shalt  }
0x67: {  	_ =	shalt  }
0x68: {  	_ =	shalt  }
0x69: {  	_ =	shalt  }
0x6a: {  	_ =	shalt  }
0x6b: {  	_ =	shalt  }
0x6c: {  	_ =	shalt  }
0x6d: {  	_ =	shalt  }
0x6e: {  	_ =	shalt  }
0x6f: {  	_ =	shalt  }
0x70: {  	_ =	shalt  }
0x71: {  	_ =	shalt  }
0x72: {  	_ =	shalt  }
0x73: {  	_ =	shalt  }
0x74: {  	_ =	shalt  }
0x75: {  	_ =	shalt  }
0x76: {  	_ =	shalt  }
0x77: {  	_ =	shalt  }
0x78: {  	_ =	shalt  }
0x79: {  	_ =	shalt  }
0x7a: {  	_ =	shalt  }
0x7b: {  	_ =	shalt  }
0x7c: {  	_ =	shalt  }
0x7d: {  	_ =	shalt  }
0x7e: {  	_ =	shalt  }
0x7f: {  	_ =	shalt  }
0x80: {  	_ =	shalt  }
0x81: {  	_ =	shalt  }
0x82: {  	_ =	shalt  }
0x83: {  	_ =	shalt  }
0x84: {  	_ =	shalt  }
0x85: {  	_ =	shalt  }
0x86: {  	_ =	shalt  }
0x87: {  	_ =	shalt  }
.Lfunc_end0:
.L_simem_size_0:
called_computation_lowered:
.L_overlay_start_0:
0x88: {  	s2 =	sld [smem:$0x3FD9]  }
0x89: {  	s3 =	sld [smem:$0x3FFE];
	_ =	sdelay $0x1  }
0x8a: {  	s1 =	srdreg.scid  }
0x8b: {  	s0 =	sand.u32 $0x1, s1  }
0x8c: {  	s16 =	sshll.u32 s0, $0xA;
	s2 =	sadd.s32 s3, s2  }
0x8d: {  	s2 =	sadd.s32 s2, s16  }
0x8e: {  	[smem:$0x3FBF] =	sst s2  }
0x8f: {  	_ = 	snop  }
0x90: {  	(tm) =	ssettm $0x1  }
0x91: {  	s17 =	sld [smem:$0x3FFB];
	_ =	sdelay $0x3  }
0x92: {  	_ =	strace s17  }
0x93: {  	s2 =	sld [smem:$0x3FFC];
	_ =	sdelay $0x3  }
0x94: {  	_ =	strace s2  }
0x95: {  	s2 =	sld [smem:$0x3FFD];
	_ =	sdelay $0x3  }
0x96: {  	_ =	strace s2  }
0x97: {  	_ =	strace $0x8FFFFFFF  }
0x98: {  	s18 =	sld [smem:$0x3FDB];
	_ =	sdelay $0x1  }
0x99: {  	s19 =	simm.s32 $_scs_section_size  }
0x9a: {  	s4 =	simm.s32 $_size__tile_overlayer_lowered;
	s5 =	simm.s32 $_tile_overlayer_lowered  }
0x9b: {  	s22 =	simm.s32 $0x1BFF;
	s21 =	sshll.u32 s5, $0x1;
	s2 =	sadd.s32 s19, s18  }
0x9c: {  	s6 =	simm.s32 $0x0;
	s20 =	sshll.u32 s4, $0x1;
	s4 =	sadd.s32 s21, s2  }
0x9d: {  	[timem:s6], [sflag:s22] =	dma.local [hbm:s4], s20  }
0x9e: {  	_ =	swait.ge [sflag:s22], s20  }
0x9f: {  	s3 =	ssub.s32 $0x0, s20;
	[sflag:s22] =	ssyncset.done $0x0  }
0xa0: {  	[sflag:s22] =	ssyncadd.s32 s3;
	_ =	sdelay $0x1  }
0xa1: {  	s23 =	simm.s32 $0x1B8B  }
0xa2: {  	_ =	swait.ge [sflag:s23], $0x1  }
0xa3: {  	[sflag:s23] =	ssyncset.done $0x0  }
0xa4: {  	s25 =	simm.s32 $0x1B8E;
	s24 =	sld [smem:$0x3FFE];
	[sflag:s23] =	ssyncadd.s32 $0xFFFFFFFF  }
0xa5: {  	s26 =	simm.s32 $execute0_lowered;
	[smem:$0x3FD2] =	sst s25  }
0xa6: {  	s4 =	sshll.u32 s26, $0x1;
	_ =	strace $0x80000046;
	[dreg:$0x1] =	wrdreg $0xFFFFFFFF  }
0xa7: {  	s28 =	simm.s32 $_size_execute0_lowered;
	s2 =	sadd.s32 s2, s4;
	[dreg:$0x0] =	wrdreg $0x0  }
0xa8: {  	s4 =	sshll.u32 s28, $0x1;
	[dreg:$0x2] =	wrdreg s2  }
0xa9: {  	[dreg:$0x3] =	wrdreg s4  }
0xaa: {  	[dreg:$0x4] =	wrdreg $0xC0  }
0xab: {  	_ =	task [dreg:s6], $0x5FFFF  }
0xac: {  	[dreg:$0x1] =	wrdreg $0xFFFFFFFF  }
0xad: {  	[dreg:$0x0] =	wrdreg $0x60  }
0xae: {  	[dreg:$0x2] =	wrdreg s24  }
0xaf: {  	[dreg:$0x3] =	wrdreg $0x9  }
0xb0: {  	_ =	task.clear_ibuf [dreg:s6], $0x4FFFF;
	_ =	strace $0x90000046  }
0xb1: {  	s29 =	simm.s32 $0x9;
	_ =	strace $0x80000048  }
0xb2: {  	_ =	swait.ge [sflag:s29], $0x1  }
0xb3: {  	[sflag:s29] =	ssyncadd.s32 $0xFFFFFFFF  }
0xb4: {  	_ =	strace $0x90000048  }
0xb5: {  	_ =	sfence  }
0xb6: {  	s30 =	sld [smem:$0x0];
	_ =	sdelay $0x2  }
0xb7: {  	s31 =	sshll.u32 s1, $0xD;
	s1 =	sshrl.u32 s1, $0x2  }
0xb8: {  	s3 =	sand.u32 $0x4000, s31;
	s1 =	sadd.s32 s1, s30  }
0xb9: {  	s0 =	sor.u32 s3, s0;
	s1 =	sshll.u32 s1, $0x11  }
0xba: {  	s0 =	sor.u32 s1, s0  }
0xbb: {  	s0 =	sadd.s32 $0x8F2B, s0  }
0xbc: {  	[sflag:s0] =	ssyncadd.remote.s32 $0x1  }
0xbd: {  	_ =	sfence.sel $0xFFFF  }
0xbe: {  	[dreg:$0x0] =	wrdreg $0xFFFFFFFF;
	(pc) =	sbr.abs _section_cstart, $3  }
0xbf: {  	[dreg:$0x1] =	wrdreg $0xFFFFFFFF  }
0xc0: {  	_ =	task.clear_ibuf [dreg:s6], $0x2FFFF;
	_ =	strace $0x9FFFFFFF  }
0xc1: {  	(tm) =	ssettm $0x7FFFFFFF  }
tec
execute0_lowered:
.L_overlay_start_1:
0x0: {  	(tag) =	ssettag $0x1  }
0x1: {  	s1 =	srdreg.scid  }
0x2: {  	s0 =	stileid.u32;
	s17 =	sand.u32 $0x1, s1  }
0x3: {  	s31 =	sshll.u32 s0, $0x9;
	s2 =	sshll.u32 s17, $0x8  }
0x4: {  	s18 =	sor.u32 s2, s31  }
0x5: {  	s16 =	rddreg [dreg:$0x0];
	s2 =	simm.s32 $0x0;
	s3 =	sshrl.u32 s18, $0x3  }
0x6: {  	s4 =	simm.s32 $0x3;
	[smem:$0x7FF] =	sst s2;
	s5 =	sadd.s32 s3, s16  }
0x7: {  	s1 =	rddreg [dreg:$0x1];
	_ =	strace $0x80000047;
	s3 =	sadd.s32 $0x2C00, s5  }
0x8: {  	[tilespmem:s2], [sflag:$0x3] =	stream.linear.gather [hbm4b:s3+s2], $0x100, $0x38;
	[tilespmem:$0x8200] =	vst v63  }
0x9: {  	_ =	swait.ge [sflag:s4], $0x100  }
0xa: {  	[sflag:s4] =	ssyncset.done $0x0  }
0xb: {  	s6 =	simm.s32 $0x100;
	s5 =	sadd.s32 $0x2800, s5;
	[sflag:s4] =	ssyncadd.s32 $0xFFFFFF00  }
0xc: {  	[tilespmem:s6], [sflag:$0x3] =	stream.linear.gather [hbm4b:s5+s2], $0x100, $0x38;
	[tilespmem:$0x8200] =	vst v63  }
0xd: {  	_ =	swait.ge [sflag:s4], $0x100  }
0xe: {  	s8 =	simm.s32 $0x80;
	[sflag:s4] =	ssyncset.done $0x0  }
0xf: {  	s9 =	simm.s32 $0x200;
	s7 =	sadd.s32 $0x5000, s16;
	[sflag:s4] =	ssyncadd.s32 $0xFFFFFF00  }
0x10: {  	[tilespmem:s9], [sflag:$0x1] =	stream.indirect.gather [hbm4b:s7+s8], $0x40, s2, s8, $0xb8;
	[tilespmem:$0x8200] =	vst v63  }
0x11: {  	s10 =	simm.s32 $0x2200  }
0x12: {  	[tilespmem:s10], [sflag:$0x1] =	stream.indirect.gather [hbm4b:s7+s8], $0x40, s8, s8, $0xb8;
	[tilespmem:$0x8200] =	vst v63  }
0x13: {  	s12 =	simm.s32 $0x4200;
	s11 =	sadd.s32 $0x3000, s16  }
0x14: {  	[tilespmem:s12], [sflag:$0x1] =	stream.indirect.gather [hbm4b:s11+s8], $0x40, s6, s8, $0xb8;
	[tilespmem:$0x8200] =	vst v63  }
0x15: {  	s13 =	simm.s32 $0x180;
	s14 =	simm.s32 $0x6200;
	s15 =	simm.s32 $0x1  }
0x16: {  	[tilespmem:s14], [sflag:$0x1] =	stream.indirect.gather [hbm4b:s11+s8], $0x40, s13, s8, $0xb8;
	[tilespmem:$0x8200] =	vst v63  }
0x17: {  	_ =	swait.ge [sflag:s15], $0x2000  }
0x18: {  	[sflag:s15] =	ssyncset.done $0x0  }
0x19: {  	[sflag:s15] =	ssyncadd.s32 $0xFFFFE000  }
0x1a: {  	s18 =	sshll.u32 s18, $0x3;
	_ =	swait.ge [sflag:s15], $0x2000  }
0x1b: {  	s18 =	sadd.s32 s18, s16;
	[sflag:s15] =	ssyncset.done $0x0  }
0x1c: {  	s16 =	sadd.s32 $0x7000, s18;
	[sflag:s15] =	ssyncadd.s32 $0xFFFFE000  }
0x1d: {  	[hbm4b:s16+s2] =	stream.linear.scatter [tilespmem:s9], [sflag:$0x2], $0x4000, $0x38;
	[tilespmem:$0x8200] =	vst v63  }
0x1e: {  	_ =	swait.ge [sflag:s15], $0x2000  }
0x1f: {  	s19 =	ssub.s32 $0x2, s17;
	[sflag:s15] =	ssyncset.done $0x0  }
0x20: {  	s20 =	sshrl.u32 s19, $0x1;
	[sflag:s15] =	ssyncadd.s32 $0xFFFFE000  }
0x21: {  	s19 =	ssub.s32 s19, s20;
	_ =	swait.ge [sflag:s15], $0x2000  }
0x22: {  	s17 =	simm.s32 $0x2;
	s19 =	smax.u32 s19, $0x1;
	[sflag:s15] =	ssyncset.done $0x0  }
0x23: {  	s18 =	sadd.s32 $0x17000, s18;
	p0 =	sne.s32 s19, $0x1;
	[sflag:s15] =	ssyncadd.s32 $0xFFFFE000  }
0x24: {  	[hbm4b:s18+s2] =	stream.linear.scatter [tilespmem:s12], [sflag:$0x2], $0x4000, $0x38;
	[tilespmem:$0x8200] =	vst v63  }
.Ltmp0:
0x25: {  	_ =	swait.ge [sflag:s17], $0x4000;
	(pc) =	sbr.rel @!p0 .LBB2_2-.Ltmp0, $4  }
0x26: {  	[sflag:s17] =	ssyncset.done $0x0  }
0x27: {  	[sflag:s17] =	ssyncadd.s32 $0xFFFFC000  }
0x28: {  	_ =	swait.ge [sflag:s17], $0x4000  }
0x29: {  	s19 =	sadd.s32 $0xFFFFFFFF, s19;
	[sflag:s17] =	ssyncset.done $0x0  }
.LBB2_1:
0x2a: {  	p0 =	sne.s32 s19, $0x1;
	s19 =	sadd.s32 $0xFFFFFFFF, s19;
	[sflag:s17] =	ssyncadd.s32 $0xFFFFC000  }
0x2b: {  	[tilespmem:s2], [sflag:$0x3] =	stream.linear.gather [hbm4b:s3+s2], $0x100, $0x38;
	[tilespmem:$0x8200] =	vst v63  }
0x2c: {  	_ =	swait.ge [sflag:s4], $0x100  }
0x2d: {  	[sflag:s4] =	ssyncset.done $0x0  }
0x2e: {  	[sflag:s4] =	ssyncadd.s32 $0xFFFFFF00  }
0x2f: {  	[tilespmem:s6], [sflag:$0x3] =	stream.linear.gather [hbm4b:s5+s2], $0x100, $0x38;
	[tilespmem:$0x8200] =	vst v63  }
0x30: {  	_ =	swait.ge [sflag:s4], $0x100  }
0x31: {  	[sflag:s4] =	ssyncset.done $0x0  }
0x32: {  	[sflag:s4] =	ssyncadd.s32 $0xFFFFFF00  }
0x33: {  	[tilespmem:s9], [sflag:$0x1] =	stream.indirect.gather [hbm4b:s7+s8], $0x40, s2, s8, $0xb8;
	[tilespmem:$0x8200] =	vst v63  }
0x34: {  	_ = 	snop  }
0x35: {  	[tilespmem:s10], [sflag:$0x1] =	stream.indirect.gather [hbm4b:s7+s8], $0x40, s8, s8, $0xb8;
	[tilespmem:$0x8200] =	vst v63  }
0x36: {  	_ = 	snop  }
0x37: {  	[tilespmem:s12], [sflag:$0x1] =	stream.indirect.gather [hbm4b:s11+s8], $0x40, s6, s8, $0xb8;
	[tilespmem:$0x8200] =	vst v63  }
0x38: {  	_ = 	snop  }
0x39: {  	[tilespmem:s14], [sflag:$0x1] =	stream.indirect.gather [hbm4b:s11+s8], $0x40, s13, s8, $0xb8;
	[tilespmem:$0x8200] =	vst v63  }
0x3a: {  	_ =	swait.ge [sflag:s15], $0x2000  }
0x3b: {  	[sflag:s15] =	ssyncset.done $0x0  }
0x3c: {  	[sflag:s15] =	ssyncadd.s32 $0xFFFFE000  }
0x3d: {  	_ =	swait.ge [sflag:s15], $0x2000  }
0x3e: {  	[sflag:s15] =	ssyncset.done $0x0  }
0x3f: {  	[sflag:s15] =	ssyncadd.s32 $0xFFFFE000  }
0x40: {  	[hbm4b:s16+s2] =	stream.linear.scatter [tilespmem:s9], [sflag:$0x2], $0x4000, $0x38;
	[tilespmem:$0x8200] =	vst v63  }
0x41: {  	_ =	swait.ge [sflag:s15], $0x2000  }
0x42: {  	[sflag:s15] =	ssyncset.done $0x0  }
0x43: {  	[sflag:s15] =	ssyncadd.s32 $0xFFFFE000  }
0x44: {  	_ =	swait.ge [sflag:s15], $0x2000  }
0x45: {  	[sflag:s15] =	ssyncset.done $0x0  }
0x46: {  	[sflag:s15] =	ssyncadd.s32 $0xFFFFE000  }
0x47: {  	[hbm4b:s18+s2] =	stream.linear.scatter [tilespmem:s12], [sflag:$0x2], $0x4000, $0x38;
	[tilespmem:$0x8200] =	vst v63  }
.Ltmp1:
0x48: {  	_ =	swait.ge [sflag:s17], $0x4000;
	(pc) =	sbr.rel @p0 .LBB2_1-.Ltmp1, $4  }
0x49: {  	[sflag:s17] =	ssyncset.done $0x0  }
0x4a: {  	[sflag:s17] =	ssyncadd.s32 $0xFFFFC000  }
0x4b: {  	_ =	swait.ge [sflag:s17], $0x4000  }
0x4c: {  	[sflag:s17] =	ssyncset.done $0x0  }
.LBB2_2:
0x4d: {  	[sflag:s17] =	ssyncadd.s32 $0xFFFFC000  }
0x4e: {  	_ =	sfence.sel $0x180000  }
0x4f: {  	[bflag:$0x0] =	sbarrier.arrive $0xFFFF  }
0x50: {  	p0 =	sne.s32 s0, $0x0;
	_ =	strace $0x90000047  }
0x51: {  	s0 =	sadd.s32 @!p0 $0x100000, s1;
	[bflag:$0x2] =	sbarrier.arrive $0xFFFF  }
0x52: {  	[sflag:s0] =	ssyncadd.tile.s32 @!p0 $0x1;
	_ =	shalt  }
.Lfunc_end2:
_tile_overlayer_lowered:
.L_overlay_start_2:
0x53: {  	(tag) =	ssettag $0x2  }
0x54: {  	s0 =	rddreg [dreg:$0x0];
	s2 =	stileid.u32  }
0x55: {  	s1 =	rddreg [dreg:$0x1];
	p0 =	sne.s32 s2, $0x0  }
0x56: {  	s3 =	rddreg [dreg:$0x2];
	[bflag:$0x3] =	sbarrier.arrive $0xFFFF;
	s2 =	simm.s32 @!p0 $0x1C03  }
0x57: {  	[timem:s3], [sflag:s2] =	dma.local @!p0 [hbm:s0], s1  }
0x58: {  	s0 =	simm.s32 @!p0 $0x3  }
0x59: {  	_ =	swait.ge @!p0 [sflag:s0], s1  }
0x5a: {  	s1 =	ssub.s32 @!p0 $0x0, s1;
	[sflag:s0] =	ssyncset.done @!p0 $0x0  }
0x5b: {  	[sflag:s0] =	ssyncadd.s32 @!p0 s1  }
0x5c: {  	[bflag:$0x3] =	sbarrier.arrive $0xFFFF  }
0x5d: {  	_ =	shalt  }

// kernel: kernel.9.cloned.1.call-start
scs
__scs_entry_jumppad:
0x0: {  	(pc) =	sbr.rel $0x88, $3  }
0x1: {  	(tag) =	ssettag $0x0;
	lr =	simm.s32 $0x1  }
0x2: {  	[smem:$0x3F98] =	sst lr;
	_ =	strace $0xD0000000  }
0x3: {  	_ = 	snop  }
0x4: {  	_ = 	snop  }
0x5: {  	_ = 	snop  }
0x6: {  	_ = 	snop  }
0x7: {  	_ = 	snop  }
__scs_overlays_trampoline_lowered:
0x8: {  	[smem:$0x3FA7] =	sst s0  }
0x9: {  	[smem:$0x3FA8] =	sst s1  }
0xa: {  	[smem:$0x3FA9] =	sst s2  }
0xb: {  	[smem:$0x3FAA] =	sst s3  }
0xc: {  	[smem:$0x3FAB] =	sst s4  }
0xd: {  	[smem:$0x3FAC] =	sst s5  }
0xe: {  	[smem:$0x3FAD] =	sst s6  }
0xf: {  	[smem:$0x3FAE] =	sst s7  }
0x10: {  	[smem:$0x3FAF] =	sst s8  }
0x11: {  	[smem:$0x3FB0] =	sst s9;
	s0 =	simm.s32 @!p0 $0x0  }
0x12: {  	s1 =	sld [smem:$0x3F96];
	s0 =	simm.s32 @p0 $0x1  }
0x13: {  	[smem:$0x3FB1] =	sst s0;
	s0 =	simm.s32 @!p1 $0x0  }
0x14: {  	s2 =	sld [smem:$0x3F95];
	s0 =	simm.s32 @p1 $0x1  }
0x15: {  	[smem:$0x3FB2] =	sst s0;
	s0 =	simm.s32 @!p2 $0x0  }
0x16: {  	s3 =	sld [smem:$0x3FDB];
	s0 =	simm.s32 @p2 $0x1  }
0x17: {  	s4 =	simm.s32 $0x1BF5;
	[smem:$0x3FB4] =	sst s0  }
0x18: {  	s0 =	sld [smem:$0x3F97];
	_ =	swait.ge [sflag:s4], $0x0  }
0x19: {  	s7 =	sld [smem:$0x3F98]  }
0x1a: {  	s8 =	sadd.s32 $0xFFFFE003, lr  }
0x1b: {  	s9 =	sadd.s32 $0xFFFFFEF7, lr;
	s5 =	simm.s32 $0xFFFFFFFF;
	p2 =	slt.u32 s8, $0xFFFFF086  }
0x1c: {  	p1 =	slt.u32 s9, $0xF7A;
	s5 =	simm.s32 @!p2 $0x0  }
0x1d: {  	s5 =	simm.s32 @p1 $0x1;
	p0 =	seq.s32 s7, s2  }
0x1e: {  	s7 =	smul.u32 @!p0 $0xF7A, s2;
	p2 =	seq.s32 @!p0 s5, $0x0  }
0x1f: {  	s9 =	smul.u32 $0xF7A, s1;
	s8 =	simm.s32 @!p0 $0x1BF5;
	p2 =	por !p2, p0  }
0x20: {  	[sflag:s8] =	ssyncset.s32 @!p0 $0xFFFFF086;
	s6 =	sadd.s32 @!p0 s3, s7;
	s7 =	simm.s32 @!p0 $0x108  }
0x21: {  	s3 =	sadd.s32 s3, s9;
	s6 =	sadd.s32 @!p0 $0x88, s6;
	s7 =	simm.s32 @p2 $0x1082  }
0x22: {  	[simem:s7], [sflag:s8] =	dma.local @!p0 [hbm:s6], $0xF7A  }
0x23: {  	s9 =	sor.u32 $0xD0000000, s2;
	s6 =	simm.s32 $0x108;
	_ =	swait.ge @!p0 [sflag:s8], $0x0  }
0x24: {  	s3 =	sadd.s32 $0x88, s3;
	s6 =	simm.s32 @!p1 $0x1082;
	[sflag:s4] =	ssyncset.s32 $0xFFFFF086  }
0x25: {  	[simem:s6], [sflag:s4] =	dma.local [hbm:s3], $0xF7A  }
0x26: {  	[smem:$0x3F98] =	sst s1;
	(tag) =	ssettag s2;
	_ =	strace s9  }
0x27: {  	s1 =	sld [smem:$0x3FA8]  }
0x28: {  	s2 =	sld [smem:$0x3FA9]  }
0x29: {  	s4 =	sld [smem:$0x3FAB]  }
0x2a: {  	p0 =	seq.s32 s5, $0x0;
	s5 =	sld [smem:$0x3FAC]  }
0x2b: {  	s6 =	sld [smem:$0x3FAD]  }
0x2c: {  	s7 =	sld [smem:$0x3FAE]  }
0x2d: {  	s3 =	simm.s32 $0x108;
	s8 =	sld [smem:$0x3FAF]  }
0x2e: {  	s3 =	simm.s32 @!p0 $0x1082;
	s9 =	sld [smem:$0x3FB0]  }
0x2f: {  	lr =	sadd.s32 s0, s3;
	s0 =	sld [smem:$0x3FA7]  }
0x30: {  	s3 =	sld [smem:$0x3FAA]  }
0x31: {  	[smem:$0x3FB3] =	sst s10  }
0x32: {  	s10 =	sld [smem:$0x3FB1];
	_ =	sdelay $0x3  }
0x33: {  	p0 =	seq.s32 s10, $0x1;
	s10 =	sld [smem:$0x3FB3];
	_ =	sdelay $0x3  }
0x34: {  	[smem:$0x3FB3] =	sst s10  }
0x35: {  	s10 =	sld [smem:$0x3FB2];
	_ =	sdelay $0x3  }
0x36: {  	p1 =	seq.s32 s10, $0x1;
	s10 =	sld [smem:$0x3FB3];
	_ =	sdelay $0x3  }
0x37: {  	[smem:$0x3FB3] =	sst s10  }
0x38: {  	s10 =	sld [smem:$0x3FB4]  }
0x39: {  	_ = 	snop;
	(pc) =	sbr.ind lr, $3  }
0x3a: {  	_ = 	snop  }
0x3b: {  	_ = 	snop  }
0x3c: {  	p2 =	seq.s32 s10, $0x1;
	s10 =	sld [smem:$0x3FB3]  }
0x3d: {  	_ =	shalt  }
0x3e: {  	_ =	shalt  }
0x3f: {  	_ =	shalt  }
0x40: {  	_ =	shalt  }
0x41: {  	_ =	shalt  }
0x42: {  	_ =	shalt  }
0x43: {  	_ =	shalt  }
0x44: {  	_ =	shalt  }
0x45: {  	_ =	shalt  }
0x46: {  	_ =	shalt  }
0x47: {  	_ =	shalt  }
0x48: {  	_ =	shalt  }
0x49: {  	_ =	shalt  }
0x4a: {  	_ =	shalt  }
0x4b: {  	_ =	shalt  }
0x4c: {  	_ =	shalt  }
0x4d: {  	_ =	shalt  }
0x4e: {  	_ =	shalt  }
0x4f: {  	_ =	shalt  }
0x50: {  	_ =	shalt  }
0x51: {  	_ =	shalt  }
0x52: {  	_ =	shalt  }
0x53: {  	_ =	shalt  }
0x54: {  	_ =	shalt  }
0x55: {  	_ =	shalt  }
0x56: {  	_ =	shalt  }
0x57: {  	_ =	shalt  }
0x58: {  	_ =	shalt  }
0x59: {  	_ =	shalt  }
0x5a: {  	_ =	shalt  }
0x5b: {  	_ =	shalt  }
0x5c: {  	_ =	shalt  }
0x5d: {  	_ =	shalt  }
0x5e: {  	_ =	shalt  }
0x5f: {  	_ =	shalt  }
0x60: {  	_ =	shalt  }
0x61: {  	_ =	shalt  }
0x62: {  	_ =	shalt  }
0x63: {  	_ =	shalt  }
0x64: {  	_ =	shalt  }
0x65: {  	_ =	shalt  }
0x66: {  	_ =	shalt  }
0x67: {  	_ =	shalt  }
0x68: {  	_ =	shalt  }
0x69: {  	_ =	shalt  }
0x6a: {  	_ =	shalt  }
0x6b: {  	_ =	shalt  }
0x6c: {  	_ =	shalt  }
0x6d: {  	_ =	shalt  }
0x6e: {  	_ =	shalt  }
0x6f: {  	_ =	shalt  }
0x70: {  	_ =	shalt  }
0x71: {  	_ =	shalt  }
0x72: {  	_ =	shalt  }
0x73: {  	_ =	shalt  }
0x74: {  	_ =	shalt  }
0x75: {  	_ =	shalt  }
0x76: {  	_ =	shalt  }
0x77: {  	_ =	shalt  }
0x78: {  	_ =	shalt  }
0x79: {  	_ =	shalt  }
0x7a: {  	_ =	shalt  }
0x7b: {  	_ =	shalt  }
0x7c: {  	_ =	shalt  }
0x7d: {  	_ =	shalt  }
0x7e: {  	_ =	shalt  }
0x7f: {  	_ =	shalt  }
0x80: {  	_ =	shalt  }
0x81: {  	_ =	shalt  }
0x82: {  	_ =	shalt  }
0x83: {  	_ =	shalt  }
0x84: {  	_ =	shalt  }
0x85: {  	_ =	shalt  }
0x86: {  	_ =	shalt  }
0x87: {  	_ =	shalt  }
.Lfunc_end0:
.L_simem_size_0:
called_computation.1_lowered:
.L_overlay_start_0:
0x88: {  	s2 =	sld [smem:$0x3FD9]  }
0x89: {  	s3 =	sld [smem:$0x3FFE];
	_ =	sdelay $0x1  }
0x8a: {  	s1 =	srdreg.scid  }
0x8b: {  	s0 =	sand.u32 $0x1, s1  }
0x8c: {  	s17 =	sshll.u32 s0, $0xA;
	s2 =	sadd.s32 s3, s2  }
0x8d: {  	s2 =	sadd.s32 s2, s17  }
0x8e: {  	[smem:$0x3FBF] =	sst s2  }
0x8f: {  	_ = 	snop  }
0x90: {  	s18 =	sld [smem:$0x3FD0];
	(tm) =	ssettm $0x1  }
0x91: {  	s19 =	sld [smem:$0x3FFB];
	_ =	sdelay $0x3  }
0x92: {  	_ =	strace s19  }
0x93: {  	s2 =	sld [smem:$0x3FFC];
	_ =	sdelay $0x3  }
0x94: {  	_ =	strace s2  }
0x95: {  	s2 =	sld [smem:$0x3FFD];
	_ =	sdelay $0x3  }
0x96: {  	_ =	strace s2  }
0x97: {  	_ =	strace $0x8FFFFFFF  }
0x98: {  	s20 =	sld [smem:$0x3FDB];
	_ =	sdelay $0x1  }
0x99: {  	s4 =	simm.s32 $_scs_section_size  }
0x9a: {  	s5 =	simm.s32 $_size__tile_overlayer_lowered;
	s6 =	simm.s32 $_tile_overlayer_lowered  }
0x9b: {  	s7 =	simm.s32 $0x1BFF;
	s21 =	sshll.u32 s6, $0x1;
	s4 =	sadd.s32 s4, s20  }
0x9c: {  	s22 =	simm.s32 $0x0;
	s5 =	sshll.u32 s5, $0x1;
	s6 =	sadd.s32 s21, s4  }
0x9d: {  	[timem:s22], [sflag:s7] =	dma.local [hbm:s6], s5  }
0x9e: {  	_ =	swait.ge [sflag:s7], s5  }
0x9f: {  	s5 =	ssub.s32 $0x0, s5;
	[sflag:s7] =	ssyncset.done $0x0  }
0xa0: {  	[sflag:s7] =	ssyncadd.s32 s5;
	_ =	sdelay $0x1  }
0xa1: {  	s23 =	simm.s32 $0x1B8B  }
0xa2: {  	_ =	swait.ge [sflag:s23], $0x1  }
0xa3: {  	[sflag:s23] =	ssyncset.done $0x0  }
0xa4: {  	[sflag:s23] =	ssyncadd.s32 $0xFFFFFFFF  }
0xa5: {  	s5 =	sld [smem:$0x0]  }
0xa6: {  	s6 =	sand.u32 $0xFFFFFFFE, s1  }
0xa7: {  	p0 =	sne.s32 s1, s6  }
0xa8: {  	s6 =	sshll.u32 @p0 s6, $0xE  }
0xa9: {  	s6 =	sadd.s32 @p0 $0x11B8D, s6;
	s7 =	sshll.u32 @p0 s5, $0x11  }
0xaa: {  	s6 =	sor.u32 @p0 s7, s6  }
0xab: {  	[sflag:s6] =	ssyncadd.remote.s32 @p0 $0x1;
	_ =	sdelay $0x1  }
0xac: {  	s6 =	simm.s32 @p0 $0x1B8D  }
0xad: {  	_ =	swait.eq @p0 [sflag:s6], $0x1  }
0xae: {  	[sflag:s6] =	ssyncadd.s32 @p0 $0xFFFFFFFF  }
0xaf: {  	s7 =	sshll.u32 @!p0 s1, $0xE  }
0xb0: {  	s7 =	sor.u32 @!p0 $0x4000, s7;
	s6 =	simm.s32 @!p0 $0x1B8D  }
0xb1: {  	s5 =	sshll.u32 @!p0 s5, $0x11;
	s7 =	sadd.s32 @!p0 $0x11B8D, s7;
	_ =	swait.eq @!p0 [sflag:s6], $0x1  }
0xb2: {  	s5 =	sor.u32 @!p0 s5, s7;
	[sflag:s6] =	ssyncadd.s32 @!p0 $0xFFFFFFFF  }
0xb3: {  	s25 =	simm.s32 $0x1B8E;
	s24 =	sld [smem:$0x3FFE];
	[sflag:s5] =	ssyncadd.remote.s32 @!p0 $0x1  }
0xb4: {  	s26 =	simm.s32 $execute0_lowered;
	[smem:$0x3FD2] =	sst s25  }
0xb5: {  	s6 =	sshll.u32 s26, $0x1;
	_ =	strace $0x80000049;
	[dreg:$0x1] =	wrdreg $0xFFFFFFFF  }
0xb6: {  	s28 =	simm.s32 $_size_execute0_lowered;
	s4 =	sadd.s32 s4, s6;
	[dreg:$0x0] =	wrdreg $0x0  }
0xb7: {  	s6 =	sshll.u32 s28, $0x1;
	[dreg:$0x2] =	wrdreg s4  }
0xb8: {  	[dreg:$0x3] =	wrdreg s6  }
0xb9: {  	[dreg:$0x4] =	wrdreg $0xC0  }
0xba: {  	_ =	task [dreg:s22], $0x5FFFF  }
0xbb: {  	[dreg:$0x1] =	wrdreg $0xFFFFFFFF  }
0xbc: {  	[dreg:$0x0] =	wrdreg $0x60  }
0xbd: {  	[dreg:$0x2] =	wrdreg s18  }
0xbe: {  	[dreg:$0x3] =	wrdreg s24  }
0xbf: {  	[dreg:$0x4] =	wrdreg $0xA  }
0xc0: {  	_ =	task.clear_ibuf [dreg:s22], $0x5FFFF;
	_ =	strace $0x90000049  }
0xc1: {  	s29 =	simm.s32 $0xA;
	_ =	strace $0x8000004B  }
0xc2: {  	_ =	swait.ge [sflag:s29], $0x1  }
0xc3: {  	[sflag:s29] =	ssyncadd.s32 $0xFFFFFFFF  }
0xc4: {  	_ =	strace $0x9000004B  }
0xc5: {  	_ =	sfence  }
0xc6: {  	s30 =	sld [smem:$0x0];
	_ =	sdelay $0x2  }
0xc7: {  	s31 =	sshll.u32 s1, $0xD;
	s1 =	sshrl.u32 s1, $0x2  }
0xc8: {  	s4 =	sand.u32 $0x4000, s31;
	s1 =	sadd.s32 s1, s30  }
0xc9: {  	s0 =	sor.u32 s4, s0;
	s1 =	sshll.u32 s1, $0x11  }
0xca: {  	s0 =	sor.u32 s1, s0  }
0xcb: {  	s0 =	sadd.s32 $0x8F2B, s0  }
0xcc: {  	[sflag:s0] =	ssyncadd.remote.s32 $0x1  }
0xcd: {  	_ =	sfence.sel $0xFFFF  }
0xce: {  	[dreg:$0x0] =	wrdreg $0xFFFFFFFF;
	(pc) =	sbr.abs _section_cstart, $3  }
0xcf: {  	[dreg:$0x1] =	wrdreg $0xFFFFFFFF  }
0xd0: {  	_ =	task.clear_ibuf [dreg:s22], $0x2FFFF;
	_ =	strace $0x9FFFFFFF  }
0xd1: {  	(tm) =	ssettm $0x7FFFFFFF  }
tec
execute0_lowered:
.L_overlay_start_1:
0x0: {  	(tag) =	ssettag $0x1  }
0x1: {  	s1 =	srdreg.scid  }
0x2: {  	s3 =	rddreg [dreg:$0x0];
	s0 =	stileid.u32;
	s17 =	sand.u32 $0x1, s1  }
0x3: {  	s16 =	rddreg [dreg:$0x1];
	s4 =	sshll.u32 s0, $0x9;
	s5 =	sshll.u32 s17, $0x8  }
0x4: {  	s2 =	simm.s32 $0x0;
	s1 =	rddreg [dreg:$0x2];
	s18 =	sor.u32 s5, s4  }
0x5: {  	[smem:$0x7FF] =	sst s2;
	s5 =	sshrl.u32 s18, $0x3  }
0x6: {  	_ =	strace $0x8000004A;
	s4 =	simm.s32 $0x3;
	s3 =	sadd.s32 s3, s5  }
0x7: {  	[tilespmem:s2], [sflag:$0x3] =	stream.linear.gather [hbm4b:s3+s2], $0x100, $0x38;
	[tilespmem:$0x8200] =	vst v63  }
0x8: {  	_ =	swait.ge [sflag:s4], $0x100  }
0x9: {  	s5 =	sadd.s32 s5, s16;
	[sflag:s4] =	ssyncset.done $0x0  }
0xa: {  	s6 =	simm.s32 $0x100;
	s5 =	sadd.s32 $0x27000, s5;
	[sflag:s4] =	ssyncadd.s32 $0xFFFFFF00  }
0xb: {  	[tilespmem:s6], [sflag:$0x3] =	stream.linear.gather [hbm4b:s5+s2], $0x100, $0x38;
	[tilespmem:$0x8200] =	vst v63  }
0xc: {  	_ =	swait.ge [sflag:s4], $0x100  }
0xd: {  	s8 =	simm.s32 $0x80;
	[sflag:s4] =	ssyncset.done $0x0  }
0xe: {  	s9 =	simm.s32 $0x200;
	s7 =	sadd.s32 $0x5000, s16;
	[sflag:s4] =	ssyncadd.s32 $0xFFFFFF00  }
0xf: {  	[tilespmem:s9], [sflag:$0x1] =	stream.indirect.gather [hbm4b:s7+s8], $0x40, s2, s8, $0xb8;
	[tilespmem:$0x8200] =	vst v63  }
0x10: {  	s10 =	simm.s32 $0x2200  }
0x11: {  	[tilespmem:s10], [sflag:$0x1] =	stream.indirect.gather [hbm4b:s7+s8], $0x40, s8, s8, $0xb8;
	[tilespmem:$0x8200] =	vst v63  }
0x12: {  	s12 =	simm.s32 $0x4200;
	s11 =	sadd.s32 $0x3000, s16  }
0x13: {  	[tilespmem:s12], [sflag:$0x1] =	stream.indirect.gather [hbm4b:s11+s8], $0x40, s6, s8, $0xb8;
	[tilespmem:$0x8200] =	vst v63  }
0x14: {  	s13 =	simm.s32 $0x180;
	s14 =	simm.s32 $0x6200;
	s15 =	simm.s32 $0x1  }
0x15: {  	[tilespmem:s14], [sflag:$0x1] =	stream.indirect.gather [hbm4b:s11+s8], $0x40, s13, s8, $0xb8;
	[tilespmem:$0x8200] =	vst v63  }
0x16: {  	_ =	swait.ge [sflag:s15], $0x2000  }
0x17: {  	[sflag:s15] =	ssyncset.done $0x0  }
0x18: {  	[sflag:s15] =	ssyncadd.s32 $0xFFFFE000  }
0x19: {  	s18 =	sshll.u32 s18, $0x3;
	_ =	swait.ge [sflag:s15], $0x2000  }
0x1a: {  	s18 =	sadd.s32 s18, s16;
	[sflag:s15] =	ssyncset.done $0x0  }
0x1b: {  	s16 =	sadd.s32 $0x27400, s18;
	[sflag:s15] =	ssyncadd.s32 $0xFFFFE000  }
0x1c: {  	[hbm4b:s16+s2] =	stream.linear.scatter [tilespmem:s9], [sflag:$0x2], $0x4000, $0x38;
	[tilespmem:$0x8200] =	vst v63  }
0x1d: {  	_ =	swait.ge [sflag:s15], $0x2000  }
0x1e: {  	s19 =	ssub.s32 $0x2, s17;
	[sflag:s15] =	ssyncset.done $0x0  }
0x1f: {  	s20 =	sshrl.u32 s19, $0x1;
	[sflag:s15] =	ssyncadd.s32 $0xFFFFE000  }
0x20: {  	s19 =	ssub.s32 s19, s20;
	_ =	swait.ge [sflag:s15], $0x2000  }
0x21: {  	s17 =	simm.s32 $0x2;
	s19 =	smax.u32 s19, $0x1;
	[sflag:s15] =	ssyncset.done $0x0  }
0x22: {  	s18 =	sadd.s32 $0x37400, s18;
	p0 =	sne.s32 s19, $0x1;
	[sflag:s15] =	ssyncadd.s32 $0xFFFFE000  }
0x23: {  	[hbm4b:s18+s2] =	stream.linear.scatter [tilespmem:s12], [sflag:$0x2], $0x4000, $0x38;
	[tilespmem:$0x8200] =	vst v63  }
.Ltmp0:
0x24: {  	_ =	swait.ge [sflag:s17], $0x4000;
	(pc) =	sbr.rel @!p0 .LBB2_2-.Ltmp0, $4  }
0x25: {  	[sflag:s17] =	ssyncset.done $0x0  }
0x26: {  	[sflag:s17] =	ssyncadd.s32 $0xFFFFC000  }
0x27: {  	_ =	swait.ge [sflag:s17], $0x4000  }
0x28: {  	s19 =	sadd.s32 $0xFFFFFFFF, s19;
	[sflag:s17] =	ssyncset.done $0x0  }
.LBB2_1:
0x29: {  	p0 =	sne.s32 s19, $0x1;
	s19 =	sadd.s32 $0xFFFFFFFF, s19;
	[sflag:s17] =	ssyncadd.s32 $0xFFFFC000  }
0x2a: {  	[tilespmem:s2], [sflag:$0x3] =	stream.linear.gather [hbm4b:s3+s2], $0x100, $0x38;
	[tilespmem:$0x8200] =	vst v63  }
0x2b: {  	_ =	swait.ge [sflag:s4], $0x100  }
0x2c: {  	[sflag:s4] =	ssyncset.done $0x0  }
0x2d: {  	[sflag:s4] =	ssyncadd.s32 $0xFFFFFF00  }
0x2e: {  	[tilespmem:s6], [sflag:$0x3] =	stream.linear.gather [hbm4b:s5+s2], $0x100, $0x38;
	[tilespmem:$0x8200] =	vst v63  }
0x2f: {  	_ =	swait.ge [sflag:s4], $0x100  }
0x30: {  	[sflag:s4] =	ssyncset.done $0x0  }
0x31: {  	[sflag:s4] =	ssyncadd.s32 $0xFFFFFF00  }
0x32: {  	[tilespmem:s9], [sflag:$0x1] =	stream.indirect.gather [hbm4b:s7+s8], $0x40, s2, s8, $0xb8;
	[tilespmem:$0x8200] =	vst v63  }
0x33: {  	_ = 	snop  }
0x34: {  	[tilespmem:s10], [sflag:$0x1] =	stream.indirect.gather [hbm4b:s7+s8], $0x40, s8, s8, $0xb8;
	[tilespmem:$0x8200] =	vst v63  }
0x35: {  	_ = 	snop  }
0x36: {  	[tilespmem:s12], [sflag:$0x1] =	stream.indirect.gather [hbm4b:s11+s8], $0x40, s6, s8, $0xb8;
	[tilespmem:$0x8200] =	vst v63  }
0x37: {  	_ = 	snop  }
0x38: {  	[tilespmem:s14], [sflag:$0x1] =	stream.indirect.gather [hbm4b:s11+s8], $0x40, s13, s8, $0xb8;
	[tilespmem:$0x8200] =	vst v63  }
0x39: {  	_ =	swait.ge [sflag:s15], $0x2000  }
0x3a: {  	[sflag:s15] =	ssyncset.done $0x0  }
0x3b: {  	[sflag:s15] =	ssyncadd.s32 $0xFFFFE000  }
0x3c: {  	_ =	swait.ge [sflag:s15], $0x2000  }
0x3d: {  	[sflag:s15] =	ssyncset.done $0x0  }
0x3e: {  	[sflag:s15] =	ssyncadd.s32 $0xFFFFE000  }
0x3f: {  	[hbm4b:s16+s2] =	stream.linear.scatter [tilespmem:s9], [sflag:$0x2], $0x4000, $0x38;
	[tilespmem:$0x8200] =	vst v63  }
0x40: {  	_ =	swait.ge [sflag:s15], $0x2000  }
0x41: {  	[sflag:s15] =	ssyncset.done $0x0  }
0x42: {  	[sflag:s15] =	ssyncadd.s32 $0xFFFFE000  }
0x43: {  	_ =	swait.ge [sflag:s15], $0x2000  }
0x44: {  	[sflag:s15] =	ssyncset.done $0x0  }
0x45: {  	[sflag:s15] =	ssyncadd.s32 $0xFFFFE000  }
0x46: {  	[hbm4b:s18+s2] =	stream.linear.scatter [tilespmem:s12], [sflag:$0x2], $0x4000, $0x38;
	[tilespmem:$0x8200] =	vst v63  }
.Ltmp1:
0x47: {  	_ =	swait.ge [sflag:s17], $0x4000;
	(pc) =	sbr.rel @p0 .LBB2_1-.Ltmp1, $4  }
0x48: {  	[sflag:s17] =	ssyncset.done $0x0  }
0x49: {  	[sflag:s17] =	ssyncadd.s32 $0xFFFFC000  }
0x4a: {  	_ =	swait.ge [sflag:s17], $0x4000  }
0x4b: {  	[sflag:s17] =	ssyncset.done $0x0  }
.LBB2_2:
0x4c: {  	[sflag:s17] =	ssyncadd.s32 $0xFFFFC000  }
0x4d: {  	_ =	sfence.sel $0x180000  }
0x4e: {  	[bflag:$0x0] =	sbarrier.arrive $0xFFFF  }
0x4f: {  	p0 =	sne.s32 s0, $0x0;
	_ =	strace $0x9000004A  }
0x50: {  	s0 =	sadd.s32 @!p0 $0x100000, s1;
	[bflag:$0x2] =	sbarrier.arrive $0xFFFF  }
0x51: {  	[sflag:s0] =	ssyncadd.tile.s32 @!p0 $0x1;
	_ =	shalt  }
.Lfunc_end2:
_tile_overlayer_lowered:
.L_overlay_start_2:
0x52: {  	(tag) =	ssettag $0x2  }
0x53: {  	s0 =	rddreg [dreg:$0x0];
	s2 =	stileid.u32  }
0x54: {  	s1 =	rddreg [dreg:$0x1];
	p0 =	sne.s32 s2, $0x0  }
0x55: {  	s3 =	rddreg [dreg:$0x2];
	[bflag:$0x3] =	sbarrier.arrive $0xFFFF;
	s2 =	simm.s32 @!p0 $0x1C03  }
0x56: {  	[timem:s3], [sflag:s2] =	dma.local @!p0 [hbm:s0], s1  }
0x57: {  	s0 =	simm.s32 @!p0 $0x3  }
0x58: {  	_ =	swait.ge @!p0 [sflag:s0], s1  }
0x59: {  	s1 =	ssub.s32 @!p0 $0x0, s1;
	[sflag:s0] =	ssyncset.done @!p0 $0x0  }
0x5a: {  	[sflag:s0] =	ssyncadd.s32 @!p0 s1  }
0x5b: {  	[bflag:$0x3] =	sbarrier.arrive $0xFFFF  }
0x5c: {  	_ =	shalt  }

</sc_bundles>
